<compile_context>
chip_gen: v7x
topology: tpu7x:2x2x1
jax: 0.10.2.dev20260603
libtpu: 0.0.44.dev20260713+nightly
codegen_flags: <defaults>
</compile_context>

<pallas_src>
import functools
import math

import jax
import jax.numpy as jnp
from jax import lax
from jax.experimental import pallas as pl
from jax.experimental.pallas import tpu as pltpu
from jax.experimental.pallas import tpu_sc as plsc

_NB = 3


def _unpool_sc(M, N, D, dtype):
    C = 200
    CZ = 200
    assert M % C == 0 and (N - M) % CZ == 0
    ncopy = M // C
    nzero = (N - M) // CZ
    NC, NS = 2, 16
    NW = NC * NS
    it_copy = math.ceil(ncopy / NW)
    it_zero = math.ceil(nzero / NW)
    mesh = plsc.VectorSubcoreMesh(core_axis_name="c", subcore_axis_name="s")

    @functools.partial(
        pl.kernel,
        mesh=mesh,
        out_type=jax.ShapeDtypeStruct((N, D), dtype),
        scratch_types=[
            pltpu.VMEM((C, D), dtype),
            pltpu.VMEM((C, D), dtype),
            pltpu.VMEM((C, D), dtype),
            pltpu.VMEM((CZ, D), dtype),
            pltpu.SemaphoreType.DMA,
            pltpu.SemaphoreType.DMA,
            pltpu.SemaphoreType.DMA,
            pltpu.SemaphoreType.DMA,
            pltpu.SemaphoreType.DMA,
            pltpu.SemaphoreType.DMA,
            pltpu.SemaphoreType.DMA,
        ],
    )
    def k(xd_hbm, z_hbm, out_hbm, buf0, buf1, buf2, zbuf,
          sem_r0, sem_r1, sem_r2, sem_w0, sem_w1, sem_w2, sem_z):
        wid = lax.axis_index("s") * NC + lax.axis_index("c")
        bufs = (buf0, buf1, buf2)
        sem_r = (sem_r0, sem_r1, sem_r2)
        sem_w = (sem_w0, sem_w1, sem_w2)

        def zdst(j):
            return out_hbm.at[pl.ds(M + (wid + j * NW) * CZ, CZ)]

        def src(i):
            return xd_hbm.at[pl.ds((wid + i * NW) * C, C)]

        def dst(i):
            return out_hbm.at[pl.ds((wid + i * NW) * C, C)]

        def read(i):
            return pltpu.make_async_copy(src(i), bufs[i % _NB],
                                         sem_r[i % _NB])

        def write(i):
            return pltpu.make_async_copy(bufs[i % _NB], dst(i),
                                         sem_w[i % _NB])

        @pl.when(wid < ncopy)
        def _():
            read(0).start()

        pltpu.sync_copy(z_hbm, zbuf)
        for j in range(it_zero):
            @pl.when(wid + j * NW < nzero)
            def _():
                pltpu.make_async_copy(zbuf, zdst(j), sem_z).start()

        for i in range(it_copy):
            if i - (_NB - 1) >= 0:
                @pl.when(wid + (i - _NB + 1) * NW < ncopy)
                def _():
                    write(i - _NB + 1).wait()

            if i + 1 < it_copy:
                @pl.when(wid + (i + 1) * NW < ncopy)
                def _():
                    read(i + 1).start()

            @pl.when(wid + i * NW < ncopy)
            def _():
                read(i).wait()
                write(i).start()

        for i in range(max(it_copy - _NB + 1, 0), it_copy):
            @pl.when(wid + i * NW < ncopy)
            def _():
                write(i).wait()

        for j in range(it_zero):
            @pl.when(wid + j * NW < nzero)
            def _():
                pltpu.make_async_copy(zbuf, zdst(j), sem_z).wait()

    return k


def kernel(x_down, x_up, perm):
    M, D = x_down.shape
    N = x_up.shape[0]
    zeros_src = jnp.zeros((200, D), x_up.dtype)
    return _unpool_sc(M, N, D, x_up.dtype)(x_down, zeros_src)

# --- scband reference (transcript-rebuilt; emitter-appended) ---
"""Pipeline reference for scband-unpool-44281112822488 (READ-ONLY COPY).

The authoritative reference and input builder live on the scoring server;
editing this copy changes nothing except your own understanding.
"""

import jax, jax.numpy as jnp
import numpy as np

M = 50000
N = 100000
D = 128

def setup_inputs(seed: int = 0) -> dict:
    key = jax.random.key(seed)
    k1, k2 = jax.random.split(key, 2)
    x_down = jax.random.normal(k1, (M, D), dtype=jnp.float32)
    x_up = jax.random.normal(k2, (N, D), dtype=jnp.float32)
    perm = jnp.arange(M, dtype=jnp.int64)
    return {"x_down": x_down, "x_up": x_up, "perm": perm}

def reference(x_down, x_up, perm):
    # new_x = x_up.new_zeros([x_up.shape[0], x_down.shape[1]]); new_x[perm] = x_down
    new_x = jnp.zeros((x_up.shape[0], x_down.shape[1]), dtype=x_up.dtype)
    new_x = new_x.at[perm].set(x_down)
    return new_x

if __name__ == "__main__":
    import jax
    _d = setup_inputs()
    print(jax.jit(kernel)(*tuple(_d.values())))

</pallas_src>

<mosaic_0001>
#map = affine_map<(d0, d1) -> (0, 0)>
module attributes {stable_mosaic.version = 14 : i64} {
  func.func @k(%arg0: i32, %arg1: i32, %arg2: memref<50000x128xf32, #tpu.memory_space<hbm>>, %arg3: memref<200x128xf32, #tpu.memory_space<hbm>>, %arg4: memref<100000x128xf32, #tpu.memory_space<hbm>>, %arg5: memref<200x128xf32, #tpu.memory_space<vmem>>, %arg6: memref<200x128xf32, #tpu.memory_space<vmem>>, %arg7: memref<200x128xf32, #tpu.memory_space<vmem>>, %arg8: memref<200x128xf32, #tpu.memory_space<vmem>>, %arg9: memref<!tpu.dma_semaphore, #tpu.memory_space<semaphore_mem>>, %arg10: memref<!tpu.dma_semaphore, #tpu.memory_space<semaphore_mem>>, %arg11: memref<!tpu.dma_semaphore, #tpu.memory_space<semaphore_mem>>, %arg12: memref<!tpu.dma_semaphore, #tpu.memory_space<semaphore_mem>>, %arg13: memref<!tpu.dma_semaphore, #tpu.memory_space<semaphore_mem>>, %arg14: memref<!tpu.dma_semaphore, #tpu.memory_space<semaphore_mem>>, %arg15: memref<!tpu.dma_semaphore, #tpu.memory_space<semaphore_mem>>) attributes {dimension_semantics = [#tpu.dimension_semantics<core_parallel>, #tpu.dimension_semantics<subcore_parallel>], iteration_bounds = array<i64: 2, 16>, scalar_prefetch = 0 : i64, scratch_operands = 11 : i64, tpu.core_type = #tpu.core_type<sc_vector_subcore>, window_params = [{transform_indices = #map}, {transform_indices = #map}, {transform_indices = #map}]} {
    %mul3A = arith.constant 2 : i32
    %mul3A_0 = arith.muli %arg1, %mul3A : i32
    %add3A = arith.addi %mul3A_0, %arg0 : i32
    %lt3A = arith.constant 250 : i32
    %lt3A_1 = arith.cmpi slt, %add3A, %lt3A : i32
    %convert_element_type3A = arith.extui %lt3A_1 : i1 to i32
    %cond3A = arith.constant 0 : i32
    %cond3A_2 = arith.cmpi ne, %convert_element_type3A, %cond3A : i32
    scf.if %cond3A_2 {
      %add3A_276 = arith.constant 0 : i32
      %add3A_277 = arith.addi %add3A, %add3A_276 : i32
      %mul3A_278 = arith.constant 200 : i32
      %mul3A_279 = arith.muli %add3A_277, %mul3A_278 : i32
      %dma_start3A = arith.constant 0 : i32
      %dma_start3A_280 = tpu.memref_slice %arg2[%mul3A_279, %dma_start3A] : memref<50000x128xf32, #tpu.memory_space<hbm>> -> memref<200x128xf32, #tpu.memory_space<hbm>>
      %dma_start3A_281 = arith.constant 0 : i32
      %dma_start3A_282 = tpu.memref_slice %arg2[%mul3A_279, %dma_start3A_281] : memref<50000x128xf32, #tpu.memory_space<hbm>> -> memref<200x128xf32, #tpu.memory_space<hbm>>
      tpu.enqueue_dma source(%dma_start3A_282 : memref<200x128xf32, #tpu.memory_space<hbm>>) target(%arg5 : memref<200x128xf32, #tpu.memory_space<vmem>>) target_semaphore(%arg9 : memref<!tpu.dma_semaphore, #tpu.memory_space<semaphore_mem>>)
    } else {
    }
    "tpu.region"() ({
      %run_scoped3A = tpu.sem_alloc : memref<!tpu.dma_semaphore, #tpu.memory_space<semaphore_mem>>
      tpu.enqueue_dma source(%arg3 : memref<200x128xf32, #tpu.memory_space<hbm>>) target(%arg8 : memref<200x128xf32, #tpu.memory_space<vmem>>) target_semaphore(%run_scoped3A : memref<!tpu.dma_semaphore, #tpu.memory_space<semaphore_mem>>)
      tpu.wait_dma2 semaphore(%run_scoped3A : memref<!tpu.dma_semaphore, #tpu.memory_space<semaphore_mem>>) src(%arg3 : memref<200x128xf32, #tpu.memory_space<hbm>>) dst(%arg8 : memref<200x128xf32, #tpu.memory_space<vmem>>)
      tpu.yield
    }) : () -> ()
    %add3A_3 = arith.constant 0 : i32
    %add3A_4 = arith.addi %add3A, %add3A_3 : i32
    %lt3A_5 = arith.constant 250 : i32
    %lt3A_6 = arith.cmpi slt, %add3A_4, %lt3A_5 : i32
    %convert_element_type3A_7 = arith.extui %lt3A_6 : i1 to i32
    %cond3A_8 = arith.constant 0 : i32
    %cond3A_9 = arith.cmpi ne, %convert_element_type3A_7, %cond3A_8 : i32
    scf.if %cond3A_9 {
      %add3A_276 = arith.constant 0 : i32
      %add3A_277 = arith.addi %add3A, %add3A_276 : i32
      %mul3A_278 = arith.constant 200 : i32
      %mul3A_279 = arith.muli %add3A_277, %mul3A_278 : i32
      %add3A_280 = arith.constant 50000 : i32
      %add3A_281 = arith.addi %add3A_280, %mul3A_279 : i32
      %dma_start3A = arith.constant 0 : i32
      %dma_start3A_282 = tpu.memref_slice %arg4[%add3A_281, %dma_start3A] : memref<100000x128xf32, #tpu.memory_space<hbm>> -> memref<200x128xf32, #tpu.memory_space<hbm>>
      %dma_start3A_283 = arith.constant 0 : i32
      %dma_start3A_284 = tpu.memref_slice %arg4[%add3A_281, %dma_start3A_283] : memref<100000x128xf32, #tpu.memory_space<hbm>> -> memref<200x128xf32, #tpu.memory_space<hbm>>
      tpu.enqueue_dma source(%arg8 : memref<200x128xf32, #tpu.memory_space<vmem>>) target(%dma_start3A_284 : memref<200x128xf32, #tpu.memory_space<hbm>>) target_semaphore(%arg15 : memref<!tpu.dma_semaphore, #tpu.memory_space<semaphore_mem>>)
    } else {
    }
    %add3A_10 = arith.constant 32 : i32
    %add3A_11 = arith.addi %add3A, %add3A_10 : i32
    %lt3A_12 = arith.constant 250 : i32
    %lt3A_13 = arith.cmpi slt, %add3A_11, %lt3A_12 : i32
    %convert_element_type3A_14 = arith.extui %lt3A_13 : i1 to i32
    %cond3A_15 = arith.constant 0 : i32
    %cond3A_16 = arith.cmpi ne, %convert_element_type3A_14, %cond3A_15 : i32
    scf.if %cond3A_16 {
      %add3A_276 = arith.constant 32 : i32
      %add3A_277 = arith.addi %add3A, %add3A_276 : i32
      %mul3A_278 = arith.constant 200 : i32
      %mul3A_279 = arith.muli %add3A_277, %mul3A_278 : i32
      %add3A_280 = arith.constant 50000 : i32
      %add3A_281 = arith.addi %add3A_280, %mul3A_279 : i32
      %dma_start3A = arith.constant 0 : i32
      %dma_start3A_282 = tpu.memref_slice %arg4[%add3A_281, %dma_start3A] : memref<100000x128xf32, #tpu.memory_space<hbm>> -> memref<200x128xf32, #tpu.memory_space<hbm>>
      %dma_start3A_283 = arith.constant 0 : i32
      %dma_start3A_284 = tpu.memref_slice %arg4[%add3A_281, %dma_start3A_283] : memref<100000x128xf32, #tpu.memory_space<hbm>> -> memref<200x128xf32, #tpu.memory_space<hbm>>
      tpu.enqueue_dma source(%arg8 : memref<200x128xf32, #tpu.memory_space<vmem>>) target(%dma_start3A_284 : memref<200x128xf32, #tpu.memory_space<hbm>>) target_semaphore(%arg15 : memref<!tpu.dma_semaphore, #tpu.memory_space<semaphore_mem>>)
    } else {
    }
    %add3A_17 = arith.constant 64 : i32
    %add3A_18 = arith.addi %add3A, %add3A_17 : i32
    %lt3A_19 = arith.constant 250 : i32
    %lt3A_20 = arith.cmpi slt, %add3A_18, %lt3A_19 : i32
    %convert_element_type3A_21 = arith.extui %lt3A_20 : i1 to i32
    %cond3A_22 = arith.constant 0 : i32
    %cond3A_23 = arith.cmpi ne, %convert_element_type3A_21, %cond3A_22 : i32
    scf.if %cond3A_23 {
      %add3A_276 = arith.constant 64 : i32
      %add3A_277 = arith.addi %add3A, %add3A_276 : i32
      %mul3A_278 = arith.constant 200 : i32
      %mul3A_279 = arith.muli %add3A_277, %mul3A_278 : i32
      %add3A_280 = arith.constant 50000 : i32
      %add3A_281 = arith.addi %add3A_280, %mul3A_279 : i32
      %dma_start3A = arith.constant 0 : i32
      %dma_start3A_282 = tpu.memref_slice %arg4[%add3A_281, %dma_start3A] : memref<100000x128xf32, #tpu.memory_space<hbm>> -> memref<200x128xf32, #tpu.memory_space<hbm>>
      %dma_start3A_283 = arith.constant 0 : i32
      %dma_start3A_284 = tpu.memref_slice %arg4[%add3A_281, %dma_start3A_283] : memref<100000x128xf32, #tpu.memory_space<hbm>> -> memref<200x128xf32, #tpu.memory_space<hbm>>
      tpu.enqueue_dma source(%arg8 : memref<200x128xf32, #tpu.memory_space<vmem>>) target(%dma_start3A_284 : memref<200x128xf32, #tpu.memory_space<hbm>>) target_semaphore(%arg15 : memref<!tpu.dma_semaphore, #tpu.memory_space<semaphore_mem>>)
    } else {
    }
    %add3A_24 = arith.constant 96 : i32
    %add3A_25 = arith.addi %add3A, %add3A_24 : i32
    %lt3A_26 = arith.constant 250 : i32
    %lt3A_27 = arith.cmpi slt, %add3A_25, %lt3A_26 : i32
    %convert_element_type3A_28 = arith.extui %lt3A_27 : i1 to i32
    %cond3A_29 = arith.constant 0 : i32
    %cond3A_30 = arith.cmpi ne, %convert_element_type3A_28, %cond3A_29 : i32
    scf.if %cond3A_30 {
      %add3A_276 = arith.constant 96 : i32
      %add3A_277 = arith.addi %add3A, %add3A_276 : i32
      %mul3A_278 = arith.constant 200 : i32
      %mul3A_279 = arith.muli %add3A_277, %mul3A_278 : i32
      %add3A_280 = arith.constant 50000 : i32
      %add3A_281 = arith.addi %add3A_280, %mul3A_279 : i32
      %dma_start3A = arith.constant 0 : i32
      %dma_start3A_282 = tpu.memref_slice %arg4[%add3A_281, %dma_start3A] : memref<100000x128xf32, #tpu.memory_space<hbm>> -> memref<200x128xf32, #tpu.memory_space<hbm>>
      %dma_start3A_283 = arith.constant 0 : i32
      %dma_start3A_284 = tpu.memref_slice %arg4[%add3A_281, %dma_start3A_283] : memref<100000x128xf32, #tpu.memory_space<hbm>> -> memref<200x128xf32, #tpu.memory_space<hbm>>
      tpu.enqueue_dma source(%arg8 : memref<200x128xf32, #tpu.memory_space<vmem>>) target(%dma_start3A_284 : memref<200x128xf32, #tpu.memory_space<hbm>>) target_semaphore(%arg15 : memref<!tpu.dma_semaphore, #tpu.memory_space<semaphore_mem>>)
    } else {
    }
    %add3A_31 = arith.constant 128 : i32
    %add3A_32 = arith.addi %add3A, %add3A_31 : i32
    %lt3A_33 = arith.constant 250 : i32
    %lt3A_34 = arith.cmpi slt, %add3A_32, %lt3A_33 : i32
    %convert_element_type3A_35 = arith.extui %lt3A_34 : i1 to i32
    %cond3A_36 = arith.constant 0 : i32
    %cond3A_37 = arith.cmpi ne, %convert_element_type3A_35, %cond3A_36 : i32
    scf.if %cond3A_37 {
      %add3A_276 = arith.constant 128 : i32
      %add3A_277 = arith.addi %add3A, %add3A_276 : i32
      %mul3A_278 = arith.constant 200 : i32
      %mul3A_279 = arith.muli %add3A_277, %mul3A_278 : i32
      %add3A_280 = arith.constant 50000 : i32
      %add3A_281 = arith.addi %add3A_280, %mul3A_279 : i32
      %dma_start3A = arith.constant 0 : i32
      %dma_start3A_282 = tpu.memref_slice %arg4[%add3A_281, %dma_start3A] : memref<100000x128xf32, #tpu.memory_space<hbm>> -> memref<200x128xf32, #tpu.memory_space<hbm>>
      %dma_start3A_283 = arith.constant 0 : i32
      %dma_start3A_284 = tpu.memref_slice %arg4[%add3A_281, %dma_start3A_283] : memref<100000x128xf32, #tpu.memory_space<hbm>> -> memref<200x128xf32, #tpu.memory_space<hbm>>
      tpu.enqueue_dma source(%arg8 : memref<200x128xf32, #tpu.memory_space<vmem>>) target(%dma_start3A_284 : memref<200x128xf32, #tpu.memory_space<hbm>>) target_semaphore(%arg15 : memref<!tpu.dma_semaphore, #tpu.memory_space<semaphore_mem>>)
    } else {
    }
    %add3A_38 = arith.constant 160 : i32
    %add3A_39 = arith.addi %add3A, %add3A_38 : i32
    %lt3A_40 = arith.constant 250 : i32
    %lt3A_41 = arith.cmpi slt, %add3A_39, %lt3A_40 : i32
    %convert_element_type3A_42 = arith.extui %lt3A_41 : i1 to i32
    %cond3A_43 = arith.constant 0 : i32
    %cond3A_44 = arith.cmpi ne, %convert_element_type3A_42, %cond3A_43 : i32
    scf.if %cond3A_44 {
      %add3A_276 = arith.constant 160 : i32
      %add3A_277 = arith.addi %add3A, %add3A_276 : i32
      %mul3A_278 = arith.constant 200 : i32
      %mul3A_279 = arith.muli %add3A_277, %mul3A_278 : i32
      %add3A_280 = arith.constant 50000 : i32
      %add3A_281 = arith.addi %add3A_280, %mul3A_279 : i32
      %dma_start3A = arith.constant 0 : i32
      %dma_start3A_282 = tpu.memref_slice %arg4[%add3A_281, %dma_start3A] : memref<100000x128xf32, #tpu.memory_space<hbm>> -> memref<200x128xf32, #tpu.memory_space<hbm>>
      %dma_start3A_283 = arith.constant 0 : i32
      %dma_start3A_284 = tpu.memref_slice %arg4[%add3A_281, %dma_start3A_283] : memref<100000x128xf32, #tpu.memory_space<hbm>> -> memref<200x128xf32, #tpu.memory_space<hbm>>
      tpu.enqueue_dma source(%arg8 : memref<200x128xf32, #tpu.memory_space<vmem>>) target(%dma_start3A_284 : memref<200x128xf32, #tpu.memory_space<hbm>>) target_semaphore(%arg15 : memref<!tpu.dma_semaphore, #tpu.memory_space<semaphore_mem>>)
    } else {
    }
    %add3A_45 = arith.constant 192 : i32
    %add3A_46 = arith.addi %add3A, %add3A_45 : i32
    %lt3A_47 = arith.constant 250 : i32
    %lt3A_48 = arith.cmpi slt, %add3A_46, %lt3A_47 : i32
    %convert_element_type3A_49 = arith.extui %lt3A_48 : i1 to i32
    %cond3A_50 = arith.constant 0 : i32
    %cond3A_51 = arith.cmpi ne, %convert_element_type3A_49, %cond3A_50 : i32
    scf.if %cond3A_51 {
      %add3A_276 = arith.constant 192 : i32
      %add3A_277 = arith.addi %add3A, %add3A_276 : i32
      %mul3A_278 = arith.constant 200 : i32
      %mul3A_279 = arith.muli %add3A_277, %mul3A_278 : i32
      %add3A_280 = arith.constant 50000 : i32
      %add3A_281 = arith.addi %add3A_280, %mul3A_279 : i32
      %dma_start3A = arith.constant 0 : i32
      %dma_start3A_282 = tpu.memref_slice %arg4[%add3A_281, %dma_start3A] : memref<100000x128xf32, #tpu.memory_space<hbm>> -> memref<200x128xf32, #tpu.memory_space<hbm>>
      %dma_start3A_283 = arith.constant 0 : i32
      %dma_start3A_284 = tpu.memref_slice %arg4[%add3A_281, %dma_start3A_283] : memref<100000x128xf32, #tpu.memory_space<hbm>> -> memref<200x128xf32, #tpu.memory_space<hbm>>
      tpu.enqueue_dma source(%arg8 : memref<200x128xf32, #tpu.memory_space<vmem>>) target(%dma_start3A_284 : memref<200x128xf32, #tpu.memory_space<hbm>>) target_semaphore(%arg15 : memref<!tpu.dma_semaphore, #tpu.memory_space<semaphore_mem>>)
    } else {
    }
    %add3A_52 = arith.constant 224 : i32
    %add3A_53 = arith.addi %add3A, %add3A_52 : i32
    %lt3A_54 = arith.constant 250 : i32
    %lt3A_55 = arith.cmpi slt, %add3A_53, %lt3A_54 : i32
    %convert_element_type3A_56 = arith.extui %lt3A_55 : i1 to i32
    %cond3A_57 = arith.constant 0 : i32
    %cond3A_58 = arith.cmpi ne, %convert_element_type3A_56, %cond3A_57 : i32
    scf.if %cond3A_58 {
      %add3A_276 = arith.constant 224 : i32
      %add3A_277 = arith.addi %add3A, %add3A_276 : i32
      %mul3A_278 = arith.constant 200 : i32
      %mul3A_279 = arith.muli %add3A_277, %mul3A_278 : i32
      %add3A_280 = arith.constant 50000 : i32
      %add3A_281 = arith.addi %add3A_280, %mul3A_279 : i32
      %dma_start3A = arith.constant 0 : i32
      %dma_start3A_282 = tpu.memref_slice %arg4[%add3A_281, %dma_start3A] : memref<100000x128xf32, #tpu.memory_space<hbm>> -> memref<200x128xf32, #tpu.memory_space<hbm>>
      %dma_start3A_283 = arith.constant 0 : i32
      %dma_start3A_284 = tpu.memref_slice %arg4[%add3A_281, %dma_start3A_283] : memref<100000x128xf32, #tpu.memory_space<hbm>> -> memref<200x128xf32, #tpu.memory_space<hbm>>
      tpu.enqueue_dma source(%arg8 : memref<200x128xf32, #tpu.memory_space<vmem>>) target(%dma_start3A_284 : memref<200x128xf32, #tpu.memory_space<hbm>>) target_semaphore(%arg15 : memref<!tpu.dma_semaphore, #tpu.memory_space<semaphore_mem>>)
    } else {
    }
    %add3A_59 = arith.constant 32 : i32
    %add3A_60 = arith.addi %add3A, %add3A_59 : i32
    %lt3A_61 = arith.constant 250 : i32
    %lt3A_62 = arith.cmpi slt, %add3A_60, %lt3A_61 : i32
    %convert_element_type3A_63 = arith.extui %lt3A_62 : i1 to i32
    %cond3A_64 = arith.constant 0 : i32
    %cond3A_65 = arith.cmpi ne, %convert_element_type3A_63, %cond3A_64 : i32
    scf.if %cond3A_65 {
      %add3A_276 = arith.constant 32 : i32
      %add3A_277 = arith.addi %add3A, %add3A_276 : i32
      %mul3A_278 = arith.constant 200 : i32
      %mul3A_279 = arith.muli %add3A_277, %mul3A_278 : i32
      %dma_start3A = arith.constant 0 : i32
      %dma_start3A_280 = tpu.memref_slice %arg2[%mul3A_279, %dma_start3A] : memref<50000x128xf32, #tpu.memory_space<hbm>> -> memref<200x128xf32, #tpu.memory_space<hbm>>
      %dma_start3A_281 = arith.constant 0 : i32
      %dma_start3A_282 = tpu.memref_slice %arg2[%mul3A_279, %dma_start3A_281] : memref<50000x128xf32, #tpu.memory_space<hbm>> -> memref<200x128xf32, #tpu.memory_space<hbm>>
      tpu.enqueue_dma source(%dma_start3A_282 : memref<200x128xf32, #tpu.memory_space<hbm>>) target(%arg6 : memref<200x128xf32, #tpu.memory_space<vmem>>) target_semaphore(%arg10 : memref<!tpu.dma_semaphore, #tpu.memory_space<semaphore_mem>>)
    } else {
    }
    %add3A_66 = arith.constant 0 : i32
    %add3A_67 = arith.addi %add3A, %add3A_66 : i32
    %lt3A_68 = arith.constant 250 : i32
    %lt3A_69 = arith.cmpi slt, %add3A_67, %lt3A_68 : i32
    %convert_element_type3A_70 = arith.extui %lt3A_69 : i1 to i32
    %cond3A_71 = arith.constant 0 : i32
    %cond3A_72 = arith.cmpi ne, %convert_element_type3A_70, %cond3A_71 : i32
    scf.if %cond3A_72 {
      %add3A_276 = arith.constant 0 : i32
      %add3A_277 = arith.addi %add3A, %add3A_276 : i32
      %mul3A_278 = arith.constant 200 : i32
      %mul3A_279 = arith.muli %add3A_277, %mul3A_278 : i32
      %dma_wait3A = arith.constant 0 : i32
      %dma_wait3A_280 = tpu.memref_slice %arg2[%mul3A_279, %dma_wait3A] : memref<50000x128xf32, #tpu.memory_space<hbm>> -> memref<200x128xf32, #tpu.memory_space<hbm>>
      %dma_wait3A_281 = arith.constant 0 : i32
      %dma_wait3A_282 = tpu.memref_slice %arg2[%mul3A_279, %dma_wait3A_281] : memref<50000x128xf32, #tpu.memory_space<hbm>> -> memref<200x128xf32, #tpu.memory_space<hbm>>
      tpu.wait_dma2 semaphore(%arg9 : memref<!tpu.dma_semaphore, #tpu.memory_space<semaphore_mem>>) src(%dma_wait3A_282 : memref<200x128xf32, #tpu.memory_space<hbm>>) dst(%arg5 : memref<200x128xf32, #tpu.memory_space<vmem>>)
      %add3A_283 = arith.constant 0 : i32
      %add3A_284 = arith.addi %add3A, %add3A_283 : i32
      %mul3A_285 = arith.constant 200 : i32
      %mul3A_286 = arith.muli %add3A_284, %mul3A_285 : i32
      %dma_start3A = arith.constant 0 : i32
      %dma_start3A_287 = tpu.memref_slice %arg4[%mul3A_286, %dma_start3A] : memref<100000x128xf32, #tpu.memory_space<hbm>> -> memref<200x128xf32, #tpu.memory_space<hbm>>
      %dma_start3A_288 = arith.constant 0 : i32
      %dma_start3A_289 = tpu.memref_slice %arg4[%mul3A_286, %dma_start3A_288] : memref<100000x128xf32, #tpu.memory_space<hbm>> -> memref<200x128xf32, #tpu.memory_space<hbm>>
      tpu.enqueue_dma source(%arg5 : memref<200x128xf32, #tpu.memory_space<vmem>>) target(%dma_start3A_289 : memref<200x128xf32, #tpu.memory_space<hbm>>) target_semaphore(%arg12 : memref<!tpu.dma_semaphore, #tpu.memory_space<semaphore_mem>>)
    } else {
    }
    %add3A_73 = arith.constant 64 : i32
    %add3A_74 = arith.addi %add3A, %add3A_73 : i32
    %lt3A_75 = arith.constant 250 : i32
    %lt3A_76 = arith.cmpi slt, %add3A_74, %lt3A_75 : i32
    %convert_element_type3A_77 = arith.extui %lt3A_76 : i1 to i32
    %cond3A_78 = arith.constant 0 : i32
    %cond3A_79 = arith.cmpi ne, %convert_element_type3A_77, %cond3A_78 : i32
    scf.if %cond3A_79 {
      %add3A_276 = arith.constant 64 : i32
      %add3A_277 = arith.addi %add3A, %add3A_276 : i32
      %mul3A_278 = arith.constant 200 : i32
      %mul3A_279 = arith.muli %add3A_277, %mul3A_278 : i32
      %dma_start3A = arith.constant 0 : i32
      %dma_start3A_280 = tpu.memref_slice %arg2[%mul3A_279, %dma_start3A] : memref<50000x128xf32, #tpu.memory_space<hbm>> -> memref<200x128xf32, #tpu.memory_space<hbm>>
      %dma_start3A_281 = arith.constant 0 : i32
      %dma_start3A_282 = tpu.memref_slice %arg2[%mul3A_279, %dma_start3A_281] : memref<50000x128xf32, #tpu.memory_space<hbm>> -> memref<200x128xf32, #tpu.memory_space<hbm>>
      tpu.enqueue_dma source(%dma_start3A_282 : memref<200x128xf32, #tpu.memory_space<hbm>>) target(%arg7 : memref<200x128xf32, #tpu.memory_space<vmem>>) target_semaphore(%arg11 : memref<!tpu.dma_semaphore, #tpu.memory_space<semaphore_mem>>)
    } else {
    }
    %add3A_80 = arith.constant 32 : i32
    %add3A_81 = arith.addi %add3A, %add3A_80 : i32
    %lt3A_82 = arith.constant 250 : i32
    %lt3A_83 = arith.cmpi slt, %add3A_81, %lt3A_82 : i32
    %convert_element_type3A_84 = arith.extui %lt3A_83 : i1 to i32
    %cond3A_85 = arith.constant 0 : i32
    %cond3A_86 = arith.cmpi ne, %convert_element_type3A_84, %cond3A_85 : i32
    scf.if %cond3A_86 {
      %add3A_276 = arith.constant 32 : i32
      %add3A_277 = arith.addi %add3A, %add3A_276 : i32
      %mul3A_278 = arith.constant 200 : i32
      %mul3A_279 = arith.muli %add3A_277, %mul3A_278 : i32
      %dma_wait3A = arith.constant 0 : i32
      %dma_wait3A_280 = tpu.memref_slice %arg2[%mul3A_279, %dma_wait3A] : memref<50000x128xf32, #tpu.memory_space<hbm>> -> memref<200x128xf32, #tpu.memory_space<hbm>>
      %dma_wait3A_281 = arith.constant 0 : i32
      %dma_wait3A_282 = tpu.memref_slice %arg2[%mul3A_279, %dma_wait3A_281] : memref<50000x128xf32, #tpu.memory_space<hbm>> -> memref<200x128xf32, #tpu.memory_space<hbm>>
      tpu.wait_dma2 semaphore(%arg10 : memref<!tpu.dma_semaphore, #tpu.memory_space<semaphore_mem>>) src(%dma_wait3A_282 : memref<200x128xf32, #tpu.memory_space<hbm>>) dst(%arg6 : memref<200x128xf32, #tpu.memory_space<vmem>>)
      %add3A_283 = arith.constant 32 : i32
      %add3A_284 = arith.addi %add3A, %add3A_283 : i32
      %mul3A_285 = arith.constant 200 : i32
      %mul3A_286 = arith.muli %add3A_284, %mul3A_285 : i32
      %dma_start3A = arith.constant 0 : i32
      %dma_start3A_287 = tpu.memref_slice %arg4[%mul3A_286, %dma_start3A] : memref<100000x128xf32, #tpu.memory_space<hbm>> -> memref<200x128xf32, #tpu.memory_space<hbm>>
      %dma_start3A_288 = arith.constant 0 : i32
      %dma_start3A_289 = tpu.memref_slice %arg4[%mul3A_286, %dma_start3A_288] : memref<100000x128xf32, #tpu.memory_space<hbm>> -> memref<200x128xf32, #tpu.memory_space<hbm>>
      tpu.enqueue_dma source(%arg6 : memref<200x128xf32, #tpu.memory_space<vmem>>) target(%dma_start3A_289 : memref<200x128xf32, #tpu.memory_space<hbm>>) target_semaphore(%arg13 : memref<!tpu.dma_semaphore, #tpu.memory_space<semaphore_mem>>)
    } else {
    }
    %add3A_87 = arith.constant 0 : i32
    %add3A_88 = arith.addi %add3A, %add3A_87 : i32
    %lt3A_89 = arith.constant 250 : i32
    %lt3A_90 = arith.cmpi slt, %add3A_88, %lt3A_89 : i32
    %convert_element_type3A_91 = arith.extui %lt3A_90 : i1 to i32
    %cond3A_92 = arith.constant 0 : i32
    %cond3A_93 = arith.cmpi ne, %convert_element_type3A_91, %cond3A_92 : i32
    scf.if %cond3A_93 {
      %add3A_276 = arith.constant 0 : i32
      %add3A_277 = arith.addi %add3A, %add3A_276 : i32
      %mul3A_278 = arith.constant 200 : i32
      %mul3A_279 = arith.muli %add3A_277, %mul3A_278 : i32
      %dma_wait3A = arith.constant 0 : i32
      %dma_wait3A_280 = tpu.memref_slice %arg4[%mul3A_279, %dma_wait3A] : memref<100000x128xf32, #tpu.memory_space<hbm>> -> memref<200x128xf32, #tpu.memory_space<hbm>>
      %dma_wait3A_281 = arith.constant 0 : i32
      %dma_wait3A_282 = tpu.memref_slice %arg4[%mul3A_279, %dma_wait3A_281] : memref<100000x128xf32, #tpu.memory_space<hbm>> -> memref<200x128xf32, #tpu.memory_space<hbm>>
      tpu.wait_dma2 semaphore(%arg12 : memref<!tpu.dma_semaphore, #tpu.memory_space<semaphore_mem>>) src(%arg5 : memref<200x128xf32, #tpu.memory_space<vmem>>) dst(%dma_wait3A_282 : memref<200x128xf32, #tpu.memory_space<hbm>>)
    } else {
    }
    %add3A_94 = arith.constant 96 : i32
    %add3A_95 = arith.addi %add3A, %add3A_94 : i32
    %lt3A_96 = arith.constant 250 : i32
    %lt3A_97 = arith.cmpi slt, %add3A_95, %lt3A_96 : i32
    %convert_element_type3A_98 = arith.extui %lt3A_97 : i1 to i32
    %cond3A_99 = arith.constant 0 : i32
    %cond3A_100 = arith.cmpi ne, %convert_element_type3A_98, %cond3A_99 : i32
    scf.if %cond3A_100 {
      %add3A_276 = arith.constant 96 : i32
      %add3A_277 = arith.addi %add3A, %add3A_276 : i32
      %mul3A_278 = arith.constant 200 : i32
      %mul3A_279 = arith.muli %add3A_277, %mul3A_278 : i32
      %dma_start3A = arith.constant 0 : i32
      %dma_start3A_280 = tpu.memref_slice %arg2[%mul3A_279, %dma_start3A] : memref<50000x128xf32, #tpu.memory_space<hbm>> -> memref<200x128xf32, #tpu.memory_space<hbm>>
      %dma_start3A_281 = arith.constant 0 : i32
      %dma_start3A_282 = tpu.memref_slice %arg2[%mul3A_279, %dma_start3A_281] : memref<50000x128xf32, #tpu.memory_space<hbm>> -> memref<200x128xf32, #tpu.memory_space<hbm>>
      tpu.enqueue_dma source(%dma_start3A_282 : memref<200x128xf32, #tpu.memory_space<hbm>>) target(%arg5 : memref<200x128xf32, #tpu.memory_space<vmem>>) target_semaphore(%arg9 : memref<!tpu.dma_semaphore, #tpu.memory_space<semaphore_mem>>)
    } else {
    }
    %add3A_101 = arith.constant 64 : i32
    %add3A_102 = arith.addi %add3A, %add3A_101 : i32
    %lt3A_103 = arith.constant 250 : i32
    %lt3A_104 = arith.cmpi slt, %add3A_102, %lt3A_103 : i32
    %convert_element_type3A_105 = arith.extui %lt3A_104 : i1 to i32
    %cond3A_106 = arith.constant 0 : i32
    %cond3A_107 = arith.cmpi ne, %convert_element_type3A_105, %cond3A_106 : i32
    scf.if %cond3A_107 {
      %add3A_276 = arith.constant 64 : i32
      %add3A_277 = arith.addi %add3A, %add3A_276 : i32
      %mul3A_278 = arith.constant 200 : i32
      %mul3A_279 = arith.muli %add3A_277, %mul3A_278 : i32
      %dma_wait3A = arith.constant 0 : i32
      %dma_wait3A_280 = tpu.memref_slice %arg2[%mul3A_279, %dma_wait3A] : memref<50000x128xf32, #tpu.memory_space<hbm>> -> memref<200x128xf32, #tpu.memory_space<hbm>>
      %dma_wait3A_281 = arith.constant 0 : i32
      %dma_wait3A_282 = tpu.memref_slice %arg2[%mul3A_279, %dma_wait3A_281] : memref<50000x128xf32, #tpu.memory_space<hbm>> -> memref<200x128xf32, #tpu.memory_space<hbm>>
      tpu.wait_dma2 semaphore(%arg11 : memref<!tpu.dma_semaphore, #tpu.memory_space<semaphore_mem>>) src(%dma_wait3A_282 : memref<200x128xf32, #tpu.memory_space<hbm>>) dst(%arg7 : memref<200x128xf32, #tpu.memory_space<vmem>>)
      %add3A_283 = arith.constant 64 : i32
      %add3A_284 = arith.addi %add3A, %add3A_283 : i32
      %mul3A_285 = arith.constant 200 : i32
      %mul3A_286 = arith.muli %add3A_284, %mul3A_285 : i32
      %dma_start3A = arith.constant 0 : i32
      %dma_start3A_287 = tpu.memref_slice %arg4[%mul3A_286, %dma_start3A] : memref<100000x128xf32, #tpu.memory_space<hbm>> -> memref<200x128xf32, #tpu.memory_space<hbm>>
      %dma_start3A_288 = arith.constant 0 : i32
      %dma_start3A_289 = tpu.memref_slice %arg4[%mul3A_286, %dma_start3A_288] : memref<100000x128xf32, #tpu.memory_space<hbm>> -> memref<200x128xf32, #tpu.memory_space<hbm>>
      tpu.enqueue_dma source(%arg7 : memref<200x128xf32, #tpu.memory_space<vmem>>) target(%dma_start3A_289 : memref<200x128xf32, #tpu.memory_space<hbm>>) target_semaphore(%arg14 : memref<!tpu.dma_semaphore, #tpu.memory_space<semaphore_mem>>)
    } else {
    }
    %add3A_108 = arith.constant 32 : i32
    %add3A_109 = arith.addi %add3A, %add3A_108 : i32
    %lt3A_110 = arith.constant 250 : i32
    %lt3A_111 = arith.cmpi slt, %add3A_109, %lt3A_110 : i32
    %convert_element_type3A_112 = arith.extui %lt3A_111 : i1 to i32
    %cond3A_113 = arith.constant 0 : i32
    %cond3A_114 = arith.cmpi ne, %convert_element_type3A_112, %cond3A_113 : i32
    scf.if %cond3A_114 {
      %add3A_276 = arith.constant 32 : i32
      %add3A_277 = arith.addi %add3A, %add3A_276 : i32
      %mul3A_278 = arith.constant 200 : i32
      %mul3A_279 = arith.muli %add3A_277, %mul3A_278 : i32
      %dma_wait3A = arith.constant 0 : i32
      %dma_wait3A_280 = tpu.memref_slice %arg4[%mul3A_279, %dma_wait3A] : memref<100000x128xf32, #tpu.memory_space<hbm>> -> memref<200x128xf32, #tpu.memory_space<hbm>>
      %dma_wait3A_281 = arith.constant 0 : i32
      %dma_wait3A_282 = tpu.memref_slice %arg4[%mul3A_279, %dma_wait3A_281] : memref<100000x128xf32, #tpu.memory_space<hbm>> -> memref<200x128xf32, #tpu.memory_space<hbm>>
      tpu.wait_dma2 semaphore(%arg13 : memref<!tpu.dma_semaphore, #tpu.memory_space<semaphore_mem>>) src(%arg6 : memref<200x128xf32, #tpu.memory_space<vmem>>) dst(%dma_wait3A_282 : memref<200x128xf32, #tpu.memory_space<hbm>>)
    } else {
    }
    %add3A_115 = arith.constant 128 : i32
    %add3A_116 = arith.addi %add3A, %add3A_115 : i32
    %lt3A_117 = arith.constant 250 : i32
    %lt3A_118 = arith.cmpi slt, %add3A_116, %lt3A_117 : i32
    %convert_element_type3A_119 = arith.extui %lt3A_118 : i1 to i32
    %cond3A_120 = arith.constant 0 : i32
    %cond3A_121 = arith.cmpi ne, %convert_element_type3A_119, %cond3A_120 : i32
    scf.if %cond3A_121 {
      %add3A_276 = arith.constant 128 : i32
      %add3A_277 = arith.addi %add3A, %add3A_276 : i32
      %mul3A_278 = arith.constant 200 : i32
      %mul3A_279 = arith.muli %add3A_277, %mul3A_278 : i32
      %dma_start3A = arith.constant 0 : i32
      %dma_start3A_280 = tpu.memref_slice %arg2[%mul3A_279, %dma_start3A] : memref<50000x128xf32, #tpu.memory_space<hbm>> -> memref<200x128xf32, #tpu.memory_space<hbm>>
      %dma_start3A_281 = arith.constant 0 : i32
      %dma_start3A_282 = tpu.memref_slice %arg2[%mul3A_279, %dma_start3A_281] : memref<50000x128xf32, #tpu.memory_space<hbm>> -> memref<200x128xf32, #tpu.memory_space<hbm>>
      tpu.enqueue_dma source(%dma_start3A_282 : memref<200x128xf32, #tpu.memory_space<hbm>>) target(%arg6 : memref<200x128xf32, #tpu.memory_space<vmem>>) target_semaphore(%arg10 : memref<!tpu.dma_semaphore, #tpu.memory_space<semaphore_mem>>)
    } else {
    }
    %add3A_122 = arith.constant 96 : i32
    %add3A_123 = arith.addi %add3A, %add3A_122 : i32
    %lt3A_124 = arith.constant 250 : i32
    %lt3A_125 = arith.cmpi slt, %add3A_123, %lt3A_124 : i32
    %convert_element_type3A_126 = arith.extui %lt3A_125 : i1 to i32
    %cond3A_127 = arith.constant 0 : i32
    %cond3A_128 = arith.cmpi ne, %convert_element_type3A_126, %cond3A_127 : i32
    scf.if %cond3A_128 {
      %add3A_276 = arith.constant 96 : i32
      %add3A_277 = arith.addi %add3A, %add3A_276 : i32
      %mul3A_278 = arith.constant 200 : i32
      %mul3A_279 = arith.muli %add3A_277, %mul3A_278 : i32
      %dma_wait3A = arith.constant 0 : i32
      %dma_wait3A_280 = tpu.memref_slice %arg2[%mul3A_279, %dma_wait3A] : memref<50000x128xf32, #tpu.memory_space<hbm>> -> memref<200x128xf32, #tpu.memory_space<hbm>>
      %dma_wait3A_281 = arith.constant 0 : i32
      %dma_wait3A_282 = tpu.memref_slice %arg2[%mul3A_279, %dma_wait3A_281] : memref<50000x128xf32, #tpu.memory_space<hbm>> -> memref<200x128xf32, #tpu.memory_space<hbm>>
      tpu.wait_dma2 semaphore(%arg9 : memref<!tpu.dma_semaphore, #tpu.memory_space<semaphore_mem>>) src(%dma_wait3A_282 : memref<200x128xf32, #tpu.memory_space<hbm>>) dst(%arg5 : memref<200x128xf32, #tpu.memory_space<vmem>>)
      %add3A_283 = arith.constant 96 : i32
      %add3A_284 = arith.addi %add3A, %add3A_283 : i32
      %mul3A_285 = arith.constant 200 : i32
      %mul3A_286 = arith.muli %add3A_284, %mul3A_285 : i32
      %dma_start3A = arith.constant 0 : i32
      %dma_start3A_287 = tpu.memref_slice %arg4[%mul3A_286, %dma_start3A] : memref<100000x128xf32, #tpu.memory_space<hbm>> -> memref<200x128xf32, #tpu.memory_space<hbm>>
      %dma_start3A_288 = arith.constant 0 : i32
      %dma_start3A_289 = tpu.memref_slice %arg4[%mul3A_286, %dma_start3A_288] : memref<100000x128xf32, #tpu.memory_space<hbm>> -> memref<200x128xf32, #tpu.memory_space<hbm>>
      tpu.enqueue_dma source(%arg5 : memref<200x128xf32, #tpu.memory_space<vmem>>) target(%dma_start3A_289 : memref<200x128xf32, #tpu.memory_space<hbm>>) target_semaphore(%arg12 : memref<!tpu.dma_semaphore, #tpu.memory_space<semaphore_mem>>)
    } else {
    }
    %add3A_129 = arith.constant 64 : i32
    %add3A_130 = arith.addi %add3A, %add3A_129 : i32
    %lt3A_131 = arith.constant 250 : i32
    %lt3A_132 = arith.cmpi slt, %add3A_130, %lt3A_131 : i32
    %convert_element_type3A_133 = arith.extui %lt3A_132 : i1 to i32
    %cond3A_134 = arith.constant 0 : i32
    %cond3A_135 = arith.cmpi ne, %convert_element_type3A_133, %cond3A_134 : i32
    scf.if %cond3A_135 {
      %add3A_276 = arith.constant 64 : i32
      %add3A_277 = arith.addi %add3A, %add3A_276 : i32
      %mul3A_278 = arith.constant 200 : i32
      %mul3A_279 = arith.muli %add3A_277, %mul3A_278 : i32
      %dma_wait3A = arith.constant 0 : i32
      %dma_wait3A_280 = tpu.memref_slice %arg4[%mul3A_279, %dma_wait3A] : memref<100000x128xf32, #tpu.memory_space<hbm>> -> memref<200x128xf32, #tpu.memory_space<hbm>>
      %dma_wait3A_281 = arith.constant 0 : i32
      %dma_wait3A_282 = tpu.memref_slice %arg4[%mul3A_279, %dma_wait3A_281] : memref<100000x128xf32, #tpu.memory_space<hbm>> -> memref<200x128xf32, #tpu.memory_space<hbm>>
      tpu.wait_dma2 semaphore(%arg14 : memref<!tpu.dma_semaphore, #tpu.memory_space<semaphore_mem>>) src(%arg7 : memref<200x128xf32, #tpu.memory_space<vmem>>) dst(%dma_wait3A_282 : memref<200x128xf32, #tpu.memory_space<hbm>>)
    } else {
    }
    %add3A_136 = arith.constant 160 : i32
    %add3A_137 = arith.addi %add3A, %add3A_136 : i32
    %lt3A_138 = arith.constant 250 : i32
    %lt3A_139 = arith.cmpi slt, %add3A_137, %lt3A_138 : i32
    %convert_element_type3A_140 = arith.extui %lt3A_139 : i1 to i32
    %cond3A_141 = arith.constant 0 : i32
    %cond3A_142 = arith.cmpi ne, %convert_element_type3A_140, %cond3A_141 : i32
    scf.if %cond3A_142 {
      %add3A_276 = arith.constant 160 : i32
      %add3A_277 = arith.addi %add3A, %add3A_276 : i32
      %mul3A_278 = arith.constant 200 : i32
      %mul3A_279 = arith.muli %add3A_277, %mul3A_278 : i32
      %dma_start3A = arith.constant 0 : i32
      %dma_start3A_280 = tpu.memref_slice %arg2[%mul3A_279, %dma_start3A] : memref<50000x128xf32, #tpu.memory_space<hbm>> -> memref<200x128xf32, #tpu.memory_space<hbm>>
      %dma_start3A_281 = arith.constant 0 : i32
      %dma_start3A_282 = tpu.memref_slice %arg2[%mul3A_279, %dma_start3A_281] : memref<50000x128xf32, #tpu.memory_space<hbm>> -> memref<200x128xf32, #tpu.memory_space<hbm>>
      tpu.enqueue_dma source(%dma_start3A_282 : memref<200x128xf32, #tpu.memory_space<hbm>>) target(%arg7 : memref<200x128xf32, #tpu.memory_space<vmem>>) target_semaphore(%arg11 : memref<!tpu.dma_semaphore, #tpu.memory_space<semaphore_mem>>)
    } else {
    }
    %add3A_143 = arith.constant 128 : i32
    %add3A_144 = arith.addi %add3A, %add3A_143 : i32
    %lt3A_145 = arith.constant 250 : i32
    %lt3A_146 = arith.cmpi slt, %add3A_144, %lt3A_145 : i32
    %convert_element_type3A_147 = arith.extui %lt3A_146 : i1 to i32
    %cond3A_148 = arith.constant 0 : i32
    %cond3A_149 = arith.cmpi ne, %convert_element_type3A_147, %cond3A_148 : i32
    scf.if %cond3A_149 {
      %add3A_276 = arith.constant 128 : i32
      %add3A_277 = arith.addi %add3A, %add3A_276 : i32
      %mul3A_278 = arith.constant 200 : i32
      %mul3A_279 = arith.muli %add3A_277, %mul3A_278 : i32
      %dma_wait3A = arith.constant 0 : i32
      %dma_wait3A_280 = tpu.memref_slice %arg2[%mul3A_279, %dma_wait3A] : memref<50000x128xf32, #tpu.memory_space<hbm>> -> memref<200x128xf32, #tpu.memory_space<hbm>>
      %dma_wait3A_281 = arith.constant 0 : i32
      %dma_wait3A_282 = tpu.memref_slice %arg2[%mul3A_279, %dma_wait3A_281] : memref<50000x128xf32, #tpu.memory_space<hbm>> -> memref<200x128xf32, #tpu.memory_space<hbm>>
      tpu.wait_dma2 semaphore(%arg10 : memref<!tpu.dma_semaphore, #tpu.memory_space<semaphore_mem>>) src(%dma_wait3A_282 : memref<200x128xf32, #tpu.memory_space<hbm>>) dst(%arg6 : memref<200x128xf32, #tpu.memory_space<vmem>>)
      %add3A_283 = arith.constant 128 : i32
      %add3A_284 = arith.addi %add3A, %add3A_283 : i32
      %mul3A_285 = arith.constant 200 : i32
      %mul3A_286 = arith.muli %add3A_284, %mul3A_285 : i32
      %dma_start3A = arith.constant 0 : i32
      %dma_start3A_287 = tpu.memref_slice %arg4[%mul3A_286, %dma_start3A] : memref<100000x128xf32, #tpu.memory_space<hbm>> -> memref<200x128xf32, #tpu.memory_space<hbm>>
      %dma_start3A_288 = arith.constant 0 : i32
      %dma_start3A_289 = tpu.memref_slice %arg4[%mul3A_286, %dma_start3A_288] : memref<100000x128xf32, #tpu.memory_space<hbm>> -> memref<200x128xf32, #tpu.memory_space<hbm>>
      tpu.enqueue_dma source(%arg6 : memref<200x128xf32, #tpu.memory_space<vmem>>) target(%dma_start3A_289 : memref<200x128xf32, #tpu.memory_space<hbm>>) target_semaphore(%arg13 : memref<!tpu.dma_semaphore, #tpu.memory_space<semaphore_mem>>)
    } else {
    }
    %add3A_150 = arith.constant 96 : i32
    %add3A_151 = arith.addi %add3A, %add3A_150 : i32
    %lt3A_152 = arith.constant 250 : i32
    %lt3A_153 = arith.cmpi slt, %add3A_151, %lt3A_152 : i32
    %convert_element_type3A_154 = arith.extui %lt3A_153 : i1 to i32
    %cond3A_155 = arith.constant 0 : i32
    %cond3A_156 = arith.cmpi ne, %convert_element_type3A_154, %cond3A_155 : i32
    scf.if %cond3A_156 {
      %add3A_276 = arith.constant 96 : i32
      %add3A_277 = arith.addi %add3A, %add3A_276 : i32
      %mul3A_278 = arith.constant 200 : i32
      %mul3A_279 = arith.muli %add3A_277, %mul3A_278 : i32
      %dma_wait3A = arith.constant 0 : i32
      %dma_wait3A_280 = tpu.memref_slice %arg4[%mul3A_279, %dma_wait3A] : memref<100000x128xf32, #tpu.memory_space<hbm>> -> memref<200x128xf32, #tpu.memory_space<hbm>>
      %dma_wait3A_281 = arith.constant 0 : i32
      %dma_wait3A_282 = tpu.memref_slice %arg4[%mul3A_279, %dma_wait3A_281] : memref<100000x128xf32, #tpu.memory_space<hbm>> -> memref<200x128xf32, #tpu.memory_space<hbm>>
      tpu.wait_dma2 semaphore(%arg12 : memref<!tpu.dma_semaphore, #tpu.memory_space<semaphore_mem>>) src(%arg5 : memref<200x128xf32, #tpu.memory_space<vmem>>) dst(%dma_wait3A_282 : memref<200x128xf32, #tpu.memory_space<hbm>>)
    } else {
    }
    %add3A_157 = arith.constant 192 : i32
    %add3A_158 = arith.addi %add3A, %add3A_157 : i32
    %lt3A_159 = arith.constant 250 : i32
    %lt3A_160 = arith.cmpi slt, %add3A_158, %lt3A_159 : i32
    %convert_element_type3A_161 = arith.extui %lt3A_160 : i1 to i32
    %cond3A_162 = arith.constant 0 : i32
    %cond3A_163 = arith.cmpi ne, %convert_element_type3A_161, %cond3A_162 : i32
    scf.if %cond3A_163 {
      %add3A_276 = arith.constant 192 : i32
      %add3A_277 = arith.addi %add3A, %add3A_276 : i32
      %mul3A_278 = arith.constant 200 : i32
      %mul3A_279 = arith.muli %add3A_277, %mul3A_278 : i32
      %dma_start3A = arith.constant 0 : i32
      %dma_start3A_280 = tpu.memref_slice %arg2[%mul3A_279, %dma_start3A] : memref<50000x128xf32, #tpu.memory_space<hbm>> -> memref<200x128xf32, #tpu.memory_space<hbm>>
      %dma_start3A_281 = arith.constant 0 : i32
      %dma_start3A_282 = tpu.memref_slice %arg2[%mul3A_279, %dma_start3A_281] : memref<50000x128xf32, #tpu.memory_space<hbm>> -> memref<200x128xf32, #tpu.memory_space<hbm>>
      tpu.enqueue_dma source(%dma_start3A_282 : memref<200x128xf32, #tpu.memory_space<hbm>>) target(%arg5 : memref<200x128xf32, #tpu.memory_space<vmem>>) target_semaphore(%arg9 : memref<!tpu.dma_semaphore, #tpu.memory_space<semaphore_mem>>)
    } else {
    }
    %add3A_164 = arith.constant 160 : i32
    %add3A_165 = arith.addi %add3A, %add3A_164 : i32
    %lt3A_166 = arith.constant 250 : i32
    %lt3A_167 = arith.cmpi slt, %add3A_165, %lt3A_166 : i32
    %convert_element_type3A_168 = arith.extui %lt3A_167 : i1 to i32
    %cond3A_169 = arith.constant 0 : i32
    %cond3A_170 = arith.cmpi ne, %convert_element_type3A_168, %cond3A_169 : i32
    scf.if %cond3A_170 {
      %add3A_276 = arith.constant 160 : i32
      %add3A_277 = arith.addi %add3A, %add3A_276 : i32
      %mul3A_278 = arith.constant 200 : i32
      %mul3A_279 = arith.muli %add3A_277, %mul3A_278 : i32
      %dma_wait3A = arith.constant 0 : i32
      %dma_wait3A_280 = tpu.memref_slice %arg2[%mul3A_279, %dma_wait3A] : memref<50000x128xf32, #tpu.memory_space<hbm>> -> memref<200x128xf32, #tpu.memory_space<hbm>>
      %dma_wait3A_281 = arith.constant 0 : i32
      %dma_wait3A_282 = tpu.memref_slice %arg2[%mul3A_279, %dma_wait3A_281] : memref<50000x128xf32, #tpu.memory_space<hbm>> -> memref<200x128xf32, #tpu.memory_space<hbm>>
      tpu.wait_dma2 semaphore(%arg11 : memref<!tpu.dma_semaphore, #tpu.memory_space<semaphore_mem>>) src(%dma_wait3A_282 : memref<200x128xf32, #tpu.memory_space<hbm>>) dst(%arg7 : memref<200x128xf32, #tpu.memory_space<vmem>>)
      %add3A_283 = arith.constant 160 : i32
      %add3A_284 = arith.addi %add3A, %add3A_283 : i32
      %mul3A_285 = arith.constant 200 : i32
      %mul3A_286 = arith.muli %add3A_284, %mul3A_285 : i32
      %dma_start3A = arith.constant 0 : i32
      %dma_start3A_287 = tpu.memref_slice %arg4[%mul3A_286, %dma_start3A] : memref<100000x128xf32, #tpu.memory_space<hbm>> -> memref<200x128xf32, #tpu.memory_space<hbm>>
      %dma_start3A_288 = arith.constant 0 : i32
      %dma_start3A_289 = tpu.memref_slice %arg4[%mul3A_286, %dma_start3A_288] : memref<100000x128xf32, #tpu.memory_space<hbm>> -> memref<200x128xf32, #tpu.memory_space<hbm>>
      tpu.enqueue_dma source(%arg7 : memref<200x128xf32, #tpu.memory_space<vmem>>) target(%dma_start3A_289 : memref<200x128xf32, #tpu.memory_space<hbm>>) target_semaphore(%arg14 : memref<!tpu.dma_semaphore, #tpu.memory_space<semaphore_mem>>)
    } else {
    }
    %add3A_171 = arith.constant 128 : i32
    %add3A_172 = arith.addi %add3A, %add3A_171 : i32
    %lt3A_173 = arith.constant 250 : i32
    %lt3A_174 = arith.cmpi slt, %add3A_172, %lt3A_173 : i32
    %convert_element_type3A_175 = arith.extui %lt3A_174 : i1 to i32
    %cond3A_176 = arith.constant 0 : i32
    %cond3A_177 = arith.cmpi ne, %convert_element_type3A_175, %cond3A_176 : i32
    scf.if %cond3A_177 {
      %add3A_276 = arith.constant 128 : i32
      %add3A_277 = arith.addi %add3A, %add3A_276 : i32
      %mul3A_278 = arith.constant 200 : i32
      %mul3A_279 = arith.muli %add3A_277, %mul3A_278 : i32
      %dma_wait3A = arith.constant 0 : i32
      %dma_wait3A_280 = tpu.memref_slice %arg4[%mul3A_279, %dma_wait3A] : memref<100000x128xf32, #tpu.memory_space<hbm>> -> memref<200x128xf32, #tpu.memory_space<hbm>>
      %dma_wait3A_281 = arith.constant 0 : i32
      %dma_wait3A_282 = tpu.memref_slice %arg4[%mul3A_279, %dma_wait3A_281] : memref<100000x128xf32, #tpu.memory_space<hbm>> -> memref<200x128xf32, #tpu.memory_space<hbm>>
      tpu.wait_dma2 semaphore(%arg13 : memref<!tpu.dma_semaphore, #tpu.memory_space<semaphore_mem>>) src(%arg6 : memref<200x128xf32, #tpu.memory_space<vmem>>) dst(%dma_wait3A_282 : memref<200x128xf32, #tpu.memory_space<hbm>>)
    } else {
    }
    %add3A_178 = arith.constant 224 : i32
    %add3A_179 = arith.addi %add3A, %add3A_178 : i32
    %lt3A_180 = arith.constant 250 : i32
    %lt3A_181 = arith.cmpi slt, %add3A_179, %lt3A_180 : i32
    %convert_element_type3A_182 = arith.extui %lt3A_181 : i1 to i32
    %cond3A_183 = arith.constant 0 : i32
    %cond3A_184 = arith.cmpi ne, %convert_element_type3A_182, %cond3A_183 : i32
    scf.if %cond3A_184 {
      %add3A_276 = arith.constant 224 : i32
      %add3A_277 = arith.addi %add3A, %add3A_276 : i32
      %mul3A_278 = arith.constant 200 : i32
      %mul3A_279 = arith.muli %add3A_277, %mul3A_278 : i32
      %dma_start3A = arith.constant 0 : i32
      %dma_start3A_280 = tpu.memref_slice %arg2[%mul3A_279, %dma_start3A] : memref<50000x128xf32, #tpu.memory_space<hbm>> -> memref<200x128xf32, #tpu.memory_space<hbm>>
      %dma_start3A_281 = arith.constant 0 : i32
      %dma_start3A_282 = tpu.memref_slice %arg2[%mul3A_279, %dma_start3A_281] : memref<50000x128xf32, #tpu.memory_space<hbm>> -> memref<200x128xf32, #tpu.memory_space<hbm>>
      tpu.enqueue_dma source(%dma_start3A_282 : memref<200x128xf32, #tpu.memory_space<hbm>>) target(%arg6 : memref<200x128xf32, #tpu.memory_space<vmem>>) target_semaphore(%arg10 : memref<!tpu.dma_semaphore, #tpu.memory_space<semaphore_mem>>)
    } else {
    }
    %add3A_185 = arith.constant 192 : i32
    %add3A_186 = arith.addi %add3A, %add3A_185 : i32
    %lt3A_187 = arith.constant 250 : i32
    %lt3A_188 = arith.cmpi slt, %add3A_186, %lt3A_187 : i32
    %convert_element_type3A_189 = arith.extui %lt3A_188 : i1 to i32
    %cond3A_190 = arith.constant 0 : i32
    %cond3A_191 = arith.cmpi ne, %convert_element_type3A_189, %cond3A_190 : i32
    scf.if %cond3A_191 {
      %add3A_276 = arith.constant 192 : i32
      %add3A_277 = arith.addi %add3A, %add3A_276 : i32
      %mul3A_278 = arith.constant 200 : i32
      %mul3A_279 = arith.muli %add3A_277, %mul3A_278 : i32
      %dma_wait3A = arith.constant 0 : i32
      %dma_wait3A_280 = tpu.memref_slice %arg2[%mul3A_279, %dma_wait3A] : memref<50000x128xf32, #tpu.memory_space<hbm>> -> memref<200x128xf32, #tpu.memory_space<hbm>>
      %dma_wait3A_281 = arith.constant 0 : i32
      %dma_wait3A_282 = tpu.memref_slice %arg2[%mul3A_279, %dma_wait3A_281] : memref<50000x128xf32, #tpu.memory_space<hbm>> -> memref<200x128xf32, #tpu.memory_space<hbm>>
      tpu.wait_dma2 semaphore(%arg9 : memref<!tpu.dma_semaphore, #tpu.memory_space<semaphore_mem>>) src(%dma_wait3A_282 : memref<200x128xf32, #tpu.memory_space<hbm>>) dst(%arg5 : memref<200x128xf32, #tpu.memory_space<vmem>>)
      %add3A_283 = arith.constant 192 : i32
      %add3A_284 = arith.addi %add3A, %add3A_283 : i32
      %mul3A_285 = arith.constant 200 : i32
      %mul3A_286 = arith.muli %add3A_284, %mul3A_285 : i32
      %dma_start3A = arith.constant 0 : i32
      %dma_start3A_287 = tpu.memref_slice %arg4[%mul3A_286, %dma_start3A] : memref<100000x128xf32, #tpu.memory_space<hbm>> -> memref<200x128xf32, #tpu.memory_space<hbm>>
      %dma_start3A_288 = arith.constant 0 : i32
      %dma_start3A_289 = tpu.memref_slice %arg4[%mul3A_286, %dma_start3A_288] : memref<100000x128xf32, #tpu.memory_space<hbm>> -> memref<200x128xf32, #tpu.memory_space<hbm>>
      tpu.enqueue_dma source(%arg5 : memref<200x128xf32, #tpu.memory_space<vmem>>) target(%dma_start3A_289 : memref<200x128xf32, #tpu.memory_space<hbm>>) target_semaphore(%arg12 : memref<!tpu.dma_semaphore, #tpu.memory_space<semaphore_mem>>)
    } else {
    }
    %add3A_192 = arith.constant 160 : i32
    %add3A_193 = arith.addi %add3A, %add3A_192 : i32
    %lt3A_194 = arith.constant 250 : i32
    %lt3A_195 = arith.cmpi slt, %add3A_193, %lt3A_194 : i32
    %convert_element_type3A_196 = arith.extui %lt3A_195 : i1 to i32
    %cond3A_197 = arith.constant 0 : i32
    %cond3A_198 = arith.cmpi ne, %convert_element_type3A_196, %cond3A_197 : i32
    scf.if %cond3A_198 {
      %add3A_276 = arith.constant 160 : i32
      %add3A_277 = arith.addi %add3A, %add3A_276 : i32
      %mul3A_278 = arith.constant 200 : i32
      %mul3A_279 = arith.muli %add3A_277, %mul3A_278 : i32
      %dma_wait3A = arith.constant 0 : i32
      %dma_wait3A_280 = tpu.memref_slice %arg4[%mul3A_279, %dma_wait3A] : memref<100000x128xf32, #tpu.memory_space<hbm>> -> memref<200x128xf32, #tpu.memory_space<hbm>>
      %dma_wait3A_281 = arith.constant 0 : i32
      %dma_wait3A_282 = tpu.memref_slice %arg4[%mul3A_279, %dma_wait3A_281] : memref<100000x128xf32, #tpu.memory_space<hbm>> -> memref<200x128xf32, #tpu.memory_space<hbm>>
      tpu.wait_dma2 semaphore(%arg14 : memref<!tpu.dma_semaphore, #tpu.memory_space<semaphore_mem>>) src(%arg7 : memref<200x128xf32, #tpu.memory_space<vmem>>) dst(%dma_wait3A_282 : memref<200x128xf32, #tpu.memory_space<hbm>>)
    } else {
    }
    %add3A_199 = arith.constant 224 : i32
    %add3A_200 = arith.addi %add3A, %add3A_199 : i32
    %lt3A_201 = arith.constant 250 : i32
    %lt3A_202 = arith.cmpi slt, %add3A_200, %lt3A_201 : i32
    %convert_element_type3A_203 = arith.extui %lt3A_202 : i1 to i32
    %cond3A_204 = arith.constant 0 : i32
    %cond3A_205 = arith.cmpi ne, %convert_element_type3A_203, %cond3A_204 : i32
    scf.if %cond3A_205 {
      %add3A_276 = arith.constant 224 : i32
      %add3A_277 = arith.addi %add3A, %add3A_276 : i32
      %mul3A_278 = arith.constant 200 : i32
      %mul3A_279 = arith.muli %add3A_277, %mul3A_278 : i32
      %dma_wait3A = arith.constant 0 : i32
      %dma_wait3A_280 = tpu.memref_slice %arg2[%mul3A_279, %dma_wait3A] : memref<50000x128xf32, #tpu.memory_space<hbm>> -> memref<200x128xf32, #tpu.memory_space<hbm>>
      %dma_wait3A_281 = arith.constant 0 : i32
      %dma_wait3A_282 = tpu.memref_slice %arg2[%mul3A_279, %dma_wait3A_281] : memref<50000x128xf32, #tpu.memory_space<hbm>> -> memref<200x128xf32, #tpu.memory_space<hbm>>
      tpu.wait_dma2 semaphore(%arg10 : memref<!tpu.dma_semaphore, #tpu.memory_space<semaphore_mem>>) src(%dma_wait3A_282 : memref<200x128xf32, #tpu.memory_space<hbm>>) dst(%arg6 : memref<200x128xf32, #tpu.memory_space<vmem>>)
      %add3A_283 = arith.constant 224 : i32
      %add3A_284 = arith.addi %add3A, %add3A_283 : i32
      %mul3A_285 = arith.constant 200 : i32
      %mul3A_286 = arith.muli %add3A_284, %mul3A_285 : i32
      %dma_start3A = arith.constant 0 : i32
      %dma_start3A_287 = tpu.memref_slice %arg4[%mul3A_286, %dma_start3A] : memref<100000x128xf32, #tpu.memory_space<hbm>> -> memref<200x128xf32, #tpu.memory_space<hbm>>
      %dma_start3A_288 = arith.constant 0 : i32
      %dma_start3A_289 = tpu.memref_slice %arg4[%mul3A_286, %dma_start3A_288] : memref<100000x128xf32, #tpu.memory_space<hbm>> -> memref<200x128xf32, #tpu.memory_space<hbm>>
      tpu.enqueue_dma source(%arg6 : memref<200x128xf32, #tpu.memory_space<vmem>>) target(%dma_start3A_289 : memref<200x128xf32, #tpu.memory_space<hbm>>) target_semaphore(%arg13 : memref<!tpu.dma_semaphore, #tpu.memory_space<semaphore_mem>>)
    } else {
    }
    %add3A_206 = arith.constant 192 : i32
    %add3A_207 = arith.addi %add3A, %add3A_206 : i32
    %lt3A_208 = arith.constant 250 : i32
    %lt3A_209 = arith.cmpi slt, %add3A_207, %lt3A_208 : i32
    %convert_element_type3A_210 = arith.extui %lt3A_209 : i1 to i32
    %cond3A_211 = arith.constant 0 : i32
    %cond3A_212 = arith.cmpi ne, %convert_element_type3A_210, %cond3A_211 : i32
    scf.if %cond3A_212 {
      %add3A_276 = arith.constant 192 : i32
      %add3A_277 = arith.addi %add3A, %add3A_276 : i32
      %mul3A_278 = arith.constant 200 : i32
      %mul3A_279 = arith.muli %add3A_277, %mul3A_278 : i32
      %dma_wait3A = arith.constant 0 : i32
      %dma_wait3A_280 = tpu.memref_slice %arg4[%mul3A_279, %dma_wait3A] : memref<100000x128xf32, #tpu.memory_space<hbm>> -> memref<200x128xf32, #tpu.memory_space<hbm>>
      %dma_wait3A_281 = arith.constant 0 : i32
      %dma_wait3A_282 = tpu.memref_slice %arg4[%mul3A_279, %dma_wait3A_281] : memref<100000x128xf32, #tpu.memory_space<hbm>> -> memref<200x128xf32, #tpu.memory_space<hbm>>
      tpu.wait_dma2 semaphore(%arg12 : memref<!tpu.dma_semaphore, #tpu.memory_space<semaphore_mem>>) src(%arg5 : memref<200x128xf32, #tpu.memory_space<vmem>>) dst(%dma_wait3A_282 : memref<200x128xf32, #tpu.memory_space<hbm>>)
    } else {
    }
    %add3A_213 = arith.constant 224 : i32
    %add3A_214 = arith.addi %add3A, %add3A_213 : i32
    %lt3A_215 = arith.constant 250 : i32
    %lt3A_216 = arith.cmpi slt, %add3A_214, %lt3A_215 : i32
    %convert_element_type3A_217 = arith.extui %lt3A_216 : i1 to i32
    %cond3A_218 = arith.constant 0 : i32
    %cond3A_219 = arith.cmpi ne, %convert_element_type3A_217, %cond3A_218 : i32
    scf.if %cond3A_219 {
      %add3A_276 = arith.constant 224 : i32
      %add3A_277 = arith.addi %add3A, %add3A_276 : i32
      %mul3A_278 = arith.constant 200 : i32
      %mul3A_279 = arith.muli %add3A_277, %mul3A_278 : i32
      %dma_wait3A = arith.constant 0 : i32
      %dma_wait3A_280 = tpu.memref_slice %arg4[%mul3A_279, %dma_wait3A] : memref<100000x128xf32, #tpu.memory_space<hbm>> -> memref<200x128xf32, #tpu.memory_space<hbm>>
      %dma_wait3A_281 = arith.constant 0 : i32
      %dma_wait3A_282 = tpu.memref_slice %arg4[%mul3A_279, %dma_wait3A_281] : memref<100000x128xf32, #tpu.memory_space<hbm>> -> memref<200x128xf32, #tpu.memory_space<hbm>>
      tpu.wait_dma2 semaphore(%arg13 : memref<!tpu.dma_semaphore, #tpu.memory_space<semaphore_mem>>) src(%arg6 : memref<200x128xf32, #tpu.memory_space<vmem>>) dst(%dma_wait3A_282 : memref<200x128xf32, #tpu.memory_space<hbm>>)
    } else {
    }
    %add3A_220 = arith.constant 0 : i32
    %add3A_221 = arith.addi %add3A, %add3A_220 : i32
    %lt3A_222 = arith.constant 250 : i32
    %lt3A_223 = arith.cmpi slt, %add3A_221, %lt3A_222 : i32
    %convert_element_type3A_224 = arith.extui %lt3A_223 : i1 to i32
    %cond3A_225 = arith.constant 0 : i32
    %cond3A_226 = arith.cmpi ne, %convert_element_type3A_224, %cond3A_225 : i32
    scf.if %cond3A_226 {
      %add3A_276 = arith.constant 0 : i32
      %add3A_277 = arith.addi %add3A, %add3A_276 : i32
      %mul3A_278 = arith.constant 200 : i32
      %mul3A_279 = arith.muli %add3A_277, %mul3A_278 : i32
      %add3A_280 = arith.constant 50000 : i32
      %add3A_281 = arith.addi %add3A_280, %mul3A_279 : i32
      %dma_wait3A = arith.constant 0 : i32
      %dma_wait3A_282 = tpu.memref_slice %arg4[%add3A_281, %dma_wait3A] : memref<100000x128xf32, #tpu.memory_space<hbm>> -> memref<200x128xf32, #tpu.memory_space<hbm>>
      %dma_wait3A_283 = arith.constant 0 : i32
      %dma_wait3A_284 = tpu.memref_slice %arg4[%add3A_281, %dma_wait3A_283] : memref<100000x128xf32, #tpu.memory_space<hbm>> -> memref<200x128xf32, #tpu.memory_space<hbm>>
      tpu.wait_dma2 semaphore(%arg15 : memref<!tpu.dma_semaphore, #tpu.memory_space<semaphore_mem>>) src(%arg8 : memref<200x128xf32, #tpu.memory_space<vmem>>) dst(%dma_wait3A_284 : memref<200x128xf32, #tpu.memory_space<hbm>>)
    } else {
    }
    %add3A_227 = arith.constant 32 : i32
    %add3A_228 = arith.addi %add3A, %add3A_227 : i32
    %lt3A_229 = arith.constant 250 : i32
    %lt3A_230 = arith.cmpi slt, %add3A_228, %lt3A_229 : i32
    %convert_element_type3A_231 = arith.extui %lt3A_230 : i1 to i32
    %cond3A_232 = arith.constant 0 : i32
    %cond3A_233 = arith.cmpi ne, %convert_element_type3A_231, %cond3A_232 : i32
    scf.if %cond3A_233 {
      %add3A_276 = arith.constant 32 : i32
      %add3A_277 = arith.addi %add3A, %add3A_276 : i32
      %mul3A_278 = arith.constant 200 : i32
      %mul3A_279 = arith.muli %add3A_277, %mul3A_278 : i32
      %add3A_280 = arith.constant 50000 : i32
      %add3A_281 = arith.addi %add3A_280, %mul3A_279 : i32
      %dma_wait3A = arith.constant 0 : i32
      %dma_wait3A_282 = tpu.memref_slice %arg4[%add3A_281, %dma_wait3A] : memref<100000x128xf32, #tpu.memory_space<hbm>> -> memref<200x128xf32, #tpu.memory_space<hbm>>
      %dma_wait3A_283 = arith.constant 0 : i32
      %dma_wait3A_284 = tpu.memref_slice %arg4[%add3A_281, %dma_wait3A_283] : memref<100000x128xf32, #tpu.memory_space<hbm>> -> memref<200x128xf32, #tpu.memory_space<hbm>>
      tpu.wait_dma2 semaphore(%arg15 : memref<!tpu.dma_semaphore, #tpu.memory_space<semaphore_mem>>) src(%arg8 : memref<200x128xf32, #tpu.memory_space<vmem>>) dst(%dma_wait3A_284 : memref<200x128xf32, #tpu.memory_space<hbm>>)
    } else {
    }
    %add3A_234 = arith.constant 64 : i32
    %add3A_235 = arith.addi %add3A, %add3A_234 : i32
    %lt3A_236 = arith.constant 250 : i32
    %lt3A_237 = arith.cmpi slt, %add3A_235, %lt3A_236 : i32
    %convert_element_type3A_238 = arith.extui %lt3A_237 : i1 to i32
    %cond3A_239 = arith.constant 0 : i32
    %cond3A_240 = arith.cmpi ne, %convert_element_type3A_238, %cond3A_239 : i32
    scf.if %cond3A_240 {
      %add3A_276 = arith.constant 64 : i32
      %add3A_277 = arith.addi %add3A, %add3A_276 : i32
      %mul3A_278 = arith.constant 200 : i32
      %mul3A_279 = arith.muli %add3A_277, %mul3A_278 : i32
      %add3A_280 = arith.constant 50000 : i32
      %add3A_281 = arith.addi %add3A_280, %mul3A_279 : i32
      %dma_wait3A = arith.constant 0 : i32
      %dma_wait3A_282 = tpu.memref_slice %arg4[%add3A_281, %dma_wait3A] : memref<100000x128xf32, #tpu.memory_space<hbm>> -> memref<200x128xf32, #tpu.memory_space<hbm>>
      %dma_wait3A_283 = arith.constant 0 : i32
      %dma_wait3A_284 = tpu.memref_slice %arg4[%add3A_281, %dma_wait3A_283] : memref<100000x128xf32, #tpu.memory_space<hbm>> -> memref<200x128xf32, #tpu.memory_space<hbm>>
      tpu.wait_dma2 semaphore(%arg15 : memref<!tpu.dma_semaphore, #tpu.memory_space<semaphore_mem>>) src(%arg8 : memref<200x128xf32, #tpu.memory_space<vmem>>) dst(%dma_wait3A_284 : memref<200x128xf32, #tpu.memory_space<hbm>>)
    } else {
    }
    %add3A_241 = arith.constant 96 : i32
    %add3A_242 = arith.addi %add3A, %add3A_241 : i32
    %lt3A_243 = arith.constant 250 : i32
    %lt3A_244 = arith.cmpi slt, %add3A_242, %lt3A_243 : i32
    %convert_element_type3A_245 = arith.extui %lt3A_244 : i1 to i32
    %cond3A_246 = arith.constant 0 : i32
    %cond3A_247 = arith.cmpi ne, %convert_element_type3A_245, %cond3A_246 : i32
    scf.if %cond3A_247 {
      %add3A_276 = arith.constant 96 : i32
      %add3A_277 = arith.addi %add3A, %add3A_276 : i32
      %mul3A_278 = arith.constant 200 : i32
      %mul3A_279 = arith.muli %add3A_277, %mul3A_278 : i32
      %add3A_280 = arith.constant 50000 : i32
      %add3A_281 = arith.addi %add3A_280, %mul3A_279 : i32
      %dma_wait3A = arith.constant 0 : i32
      %dma_wait3A_282 = tpu.memref_slice %arg4[%add3A_281, %dma_wait3A] : memref<100000x128xf32, #tpu.memory_space<hbm>> -> memref<200x128xf32, #tpu.memory_space<hbm>>
      %dma_wait3A_283 = arith.constant 0 : i32
      %dma_wait3A_284 = tpu.memref_slice %arg4[%add3A_281, %dma_wait3A_283] : memref<100000x128xf32, #tpu.memory_space<hbm>> -> memref<200x128xf32, #tpu.memory_space<hbm>>
      tpu.wait_dma2 semaphore(%arg15 : memref<!tpu.dma_semaphore, #tpu.memory_space<semaphore_mem>>) src(%arg8 : memref<200x128xf32, #tpu.memory_space<vmem>>) dst(%dma_wait3A_284 : memref<200x128xf32, #tpu.memory_space<hbm>>)
    } else {
    }
    %add3A_248 = arith.constant 128 : i32
    %add3A_249 = arith.addi %add3A, %add3A_248 : i32
    %lt3A_250 = arith.constant 250 : i32
    %lt3A_251 = arith.cmpi slt, %add3A_249, %lt3A_250 : i32
    %convert_element_type3A_252 = arith.extui %lt3A_251 : i1 to i32
    %cond3A_253 = arith.constant 0 : i32
    %cond3A_254 = arith.cmpi ne, %convert_element_type3A_252, %cond3A_253 : i32
    scf.if %cond3A_254 {
      %add3A_276 = arith.constant 128 : i32
      %add3A_277 = arith.addi %add3A, %add3A_276 : i32
      %mul3A_278 = arith.constant 200 : i32
      %mul3A_279 = arith.muli %add3A_277, %mul3A_278 : i32
      %add3A_280 = arith.constant 50000 : i32
      %add3A_281 = arith.addi %add3A_280, %mul3A_279 : i32
      %dma_wait3A = arith.constant 0 : i32
      %dma_wait3A_282 = tpu.memref_slice %arg4[%add3A_281, %dma_wait3A] : memref<100000x128xf32, #tpu.memory_space<hbm>> -> memref<200x128xf32, #tpu.memory_space<hbm>>
      %dma_wait3A_283 = arith.constant 0 : i32
      %dma_wait3A_284 = tpu.memref_slice %arg4[%add3A_281, %dma_wait3A_283] : memref<100000x128xf32, #tpu.memory_space<hbm>> -> memref<200x128xf32, #tpu.memory_space<hbm>>
      tpu.wait_dma2 semaphore(%arg15 : memref<!tpu.dma_semaphore, #tpu.memory_space<semaphore_mem>>) src(%arg8 : memref<200x128xf32, #tpu.memory_space<vmem>>) dst(%dma_wait3A_284 : memref<200x128xf32, #tpu.memory_space<hbm>>)
    } else {
    }
    %add3A_255 = arith.constant 160 : i32
    %add3A_256 = arith.addi %add3A, %add3A_255 : i32
    %lt3A_257 = arith.constant 250 : i32
    %lt3A_258 = arith.cmpi slt, %add3A_256, %lt3A_257 : i32
    %convert_element_type3A_259 = arith.extui %lt3A_258 : i1 to i32
    %cond3A_260 = arith.constant 0 : i32
    %cond3A_261 = arith.cmpi ne, %convert_element_type3A_259, %cond3A_260 : i32
    scf.if %cond3A_261 {
      %add3A_276 = arith.constant 160 : i32
      %add3A_277 = arith.addi %add3A, %add3A_276 : i32
      %mul3A_278 = arith.constant 200 : i32
      %mul3A_279 = arith.muli %add3A_277, %mul3A_278 : i32
      %add3A_280 = arith.constant 50000 : i32
      %add3A_281 = arith.addi %add3A_280, %mul3A_279 : i32
      %dma_wait3A = arith.constant 0 : i32
      %dma_wait3A_282 = tpu.memref_slice %arg4[%add3A_281, %dma_wait3A] : memref<100000x128xf32, #tpu.memory_space<hbm>> -> memref<200x128xf32, #tpu.memory_space<hbm>>
      %dma_wait3A_283 = arith.constant 0 : i32
      %dma_wait3A_284 = tpu.memref_slice %arg4[%add3A_281, %dma_wait3A_283] : memref<100000x128xf32, #tpu.memory_space<hbm>> -> memref<200x128xf32, #tpu.memory_space<hbm>>
      tpu.wait_dma2 semaphore(%arg15 : memref<!tpu.dma_semaphore, #tpu.memory_space<semaphore_mem>>) src(%arg8 : memref<200x128xf32, #tpu.memory_space<vmem>>) dst(%dma_wait3A_284 : memref<200x128xf32, #tpu.memory_space<hbm>>)
    } else {
    }
    %add3A_262 = arith.constant 192 : i32
    %add3A_263 = arith.addi %add3A, %add3A_262 : i32
    %lt3A_264 = arith.constant 250 : i32
    %lt3A_265 = arith.cmpi slt, %add3A_263, %lt3A_264 : i32
    %convert_element_type3A_266 = arith.extui %lt3A_265 : i1 to i32
    %cond3A_267 = arith.constant 0 : i32
    %cond3A_268 = arith.cmpi ne, %convert_element_type3A_266, %cond3A_267 : i32
    scf.if %cond3A_268 {
      %add3A_276 = arith.constant 192 : i32
      %add3A_277 = arith.addi %add3A, %add3A_276 : i32
      %mul3A_278 = arith.constant 200 : i32
      %mul3A_279 = arith.muli %add3A_277, %mul3A_278 : i32
      %add3A_280 = arith.constant 50000 : i32
      %add3A_281 = arith.addi %add3A_280, %mul3A_279 : i32
      %dma_wait3A = arith.constant 0 : i32
      %dma_wait3A_282 = tpu.memref_slice %arg4[%add3A_281, %dma_wait3A] : memref<100000x128xf32, #tpu.memory_space<hbm>> -> memref<200x128xf32, #tpu.memory_space<hbm>>
      %dma_wait3A_283 = arith.constant 0 : i32
      %dma_wait3A_284 = tpu.memref_slice %arg4[%add3A_281, %dma_wait3A_283] : memref<100000x128xf32, #tpu.memory_space<hbm>> -> memref<200x128xf32, #tpu.memory_space<hbm>>
      tpu.wait_dma2 semaphore(%arg15 : memref<!tpu.dma_semaphore, #tpu.memory_space<semaphore_mem>>) src(%arg8 : memref<200x128xf32, #tpu.memory_space<vmem>>) dst(%dma_wait3A_284 : memref<200x128xf32, #tpu.memory_space<hbm>>)
    } else {
    }
    %add3A_269 = arith.constant 224 : i32
    %add3A_270 = arith.addi %add3A, %add3A_269 : i32
    %lt3A_271 = arith.constant 250 : i32
    %lt3A_272 = arith.cmpi slt, %add3A_270, %lt3A_271 : i32
    %convert_element_type3A_273 = arith.extui %lt3A_272 : i1 to i32
    %cond3A_274 = arith.constant 0 : i32
    %cond3A_275 = arith.cmpi ne, %convert_element_type3A_273, %cond3A_274 : i32
    scf.if %cond3A_275 {
      %add3A_276 = arith.constant 224 : i32
      %add3A_277 = arith.addi %add3A, %add3A_276 : i32
      %mul3A_278 = arith.constant 200 : i32
      %mul3A_279 = arith.muli %add3A_277, %mul3A_278 : i32
      %add3A_280 = arith.constant 50000 : i32
      %add3A_281 = arith.addi %add3A_280, %mul3A_279 : i32
      %dma_wait3A = arith.constant 0 : i32
      %dma_wait3A_282 = tpu.memref_slice %arg4[%add3A_281, %dma_wait3A] : memref<100000x128xf32, #tpu.memory_space<hbm>> -> memref<200x128xf32, #tpu.memory_space<hbm>>
      %dma_wait3A_283 = arith.constant 0 : i32
      %dma_wait3A_284 = tpu.memref_slice %arg4[%add3A_281, %dma_wait3A_283] : memref<100000x128xf32, #tpu.memory_space<hbm>> -> memref<200x128xf32, #tpu.memory_space<hbm>>
      tpu.wait_dma2 semaphore(%arg15 : memref<!tpu.dma_semaphore, #tpu.memory_space<semaphore_mem>>) src(%arg8 : memref<200x128xf32, #tpu.memory_space<vmem>>) dst(%dma_wait3A_284 : memref<200x128xf32, #tpu.memory_space<hbm>>)
    } else {
    }
    return
  }
}

</mosaic_0001>

<sc_bundles>
// kernel: kernel.3.cloned.1.call-start
scs
__scs_entry_jumppad:
0x0: {  	(pc) =	sbr.rel $0x88, $3  }
0x1: {  	(tag) =	ssettag $0x0;
	lr =	simm.s32 $0x1  }
0x2: {  	[smem:$0x3FA0] =	sst lr;
	_ =	strace $0xD0000000  }
0x3: {  	_ = 	snop  }
0x4: {  	_ = 	snop  }
0x5: {  	_ = 	snop  }
0x6: {  	_ = 	snop  }
0x7: {  	_ = 	snop  }
__scs_overlays_trampoline_lowered:
0x8: {  	[smem:$0x3FAF] =	sst s0  }
0x9: {  	[smem:$0x3FB0] =	sst s1  }
0xa: {  	[smem:$0x3FB1] =	sst s2  }
0xb: {  	[smem:$0x3FB2] =	sst s3  }
0xc: {  	[smem:$0x3FB3] =	sst s4  }
0xd: {  	[smem:$0x3FB4] =	sst s5  }
0xe: {  	[smem:$0x3FB5] =	sst s6  }
0xf: {  	[smem:$0x3FB6] =	sst s7  }
0x10: {  	[smem:$0x3FB7] =	sst s8  }
0x11: {  	[smem:$0x3FB8] =	sst s9;
	s0 =	simm.s32 @!p0 $0x0  }
0x12: {  	s1 =	sld [smem:$0x3F9E];
	s0 =	simm.s32 @p0 $0x1  }
0x13: {  	[smem:$0x3FB9] =	sst s0;
	s0 =	simm.s32 @!p1 $0x0  }
0x14: {  	s2 =	sld [smem:$0x3F9D];
	s0 =	simm.s32 @p1 $0x1  }
0x15: {  	[smem:$0x3FBA] =	sst s0;
	s0 =	simm.s32 @!p2 $0x0  }
0x16: {  	s3 =	sld [smem:$0x3FDB];
	s0 =	simm.s32 @p2 $0x1  }
0x17: {  	s4 =	simm.s32 $0x1BF5;
	[smem:$0x3FBC] =	sst s0  }
0x18: {  	s0 =	sld [smem:$0x3F9F];
	_ =	swait.ge [sflag:s4], $0x0  }
0x19: {  	s7 =	sld [smem:$0x3FA0]  }
0x1a: {  	s8 =	sadd.s32 $0xFFFFE003, lr  }
0x1b: {  	s9 =	sadd.s32 $0xFFFFFEF7, lr;
	s5 =	simm.s32 $0xFFFFFFFF;
	p2 =	slt.u32 s8, $0xFFFFF086  }
0x1c: {  	p1 =	slt.u32 s9, $0xF7A;
	s5 =	simm.s32 @!p2 $0x0  }
0x1d: {  	s5 =	simm.s32 @p1 $0x1;
	p0 =	seq.s32 s7, s2  }
0x1e: {  	s7 =	smul.u32 @!p0 $0xF7A, s2;
	p2 =	seq.s32 @!p0 s5, $0x0  }
0x1f: {  	s9 =	smul.u32 $0xF7A, s1;
	s8 =	simm.s32 @!p0 $0x1BF5;
	p2 =	por !p2, p0  }
0x20: {  	[sflag:s8] =	ssyncset.s32 @!p0 $0xFFFFF086;
	s6 =	sadd.s32 @!p0 s3, s7;
	s7 =	simm.s32 @!p0 $0x108  }
0x21: {  	s3 =	sadd.s32 s3, s9;
	s6 =	sadd.s32 @!p0 $0x88, s6;
	s7 =	simm.s32 @p2 $0x1082  }
0x22: {  	[simem:s7], [sflag:s8] =	dma.local @!p0 [hbm:s6], $0xF7A  }
0x23: {  	s9 =	sor.u32 $0xD0000000, s2;
	s6 =	simm.s32 $0x108;
	_ =	swait.ge @!p0 [sflag:s8], $0x0  }
0x24: {  	s3 =	sadd.s32 $0x88, s3;
	s6 =	simm.s32 @!p1 $0x1082;
	[sflag:s4] =	ssyncset.s32 $0xFFFFF086  }
0x25: {  	[simem:s6], [sflag:s4] =	dma.local [hbm:s3], $0xF7A  }
0x26: {  	[smem:$0x3FA0] =	sst s1;
	(tag) =	ssettag s2;
	_ =	strace s9  }
0x27: {  	s1 =	sld [smem:$0x3FB0]  }
0x28: {  	s2 =	sld [smem:$0x3FB1]  }
0x29: {  	s4 =	sld [smem:$0x3FB3]  }
0x2a: {  	p0 =	seq.s32 s5, $0x0;
	s5 =	sld [smem:$0x3FB4]  }
0x2b: {  	s6 =	sld [smem:$0x3FB5]  }
0x2c: {  	s7 =	sld [smem:$0x3FB6]  }
0x2d: {  	s3 =	simm.s32 $0x108;
	s8 =	sld [smem:$0x3FB7]  }
0x2e: {  	s3 =	simm.s32 @!p0 $0x1082;
	s9 =	sld [smem:$0x3FB8]  }
0x2f: {  	lr =	sadd.s32 s0, s3;
	s0 =	sld [smem:$0x3FAF]  }
0x30: {  	s3 =	sld [smem:$0x3FB2]  }
0x31: {  	[smem:$0x3FBB] =	sst s10  }
0x32: {  	s10 =	sld [smem:$0x3FB9];
	_ =	sdelay $0x3  }
0x33: {  	p0 =	seq.s32 s10, $0x1;
	s10 =	sld [smem:$0x3FBB];
	_ =	sdelay $0x3  }
0x34: {  	[smem:$0x3FBB] =	sst s10  }
0x35: {  	s10 =	sld [smem:$0x3FBA];
	_ =	sdelay $0x3  }
0x36: {  	p1 =	seq.s32 s10, $0x1;
	s10 =	sld [smem:$0x3FBB];
	_ =	sdelay $0x3  }
0x37: {  	[smem:$0x3FBB] =	sst s10  }
0x38: {  	s10 =	sld [smem:$0x3FBC]  }
0x39: {  	_ = 	snop;
	(pc) =	sbr.ind lr, $3  }
0x3a: {  	_ = 	snop  }
0x3b: {  	_ = 	snop  }
0x3c: {  	p2 =	seq.s32 s10, $0x1;
	s10 =	sld [smem:$0x3FBB]  }
0x3d: {  	_ =	shalt  }
0x3e: {  	_ =	shalt  }
0x3f: {  	_ =	shalt  }
0x40: {  	_ =	shalt  }
0x41: {  	_ =	shalt  }
0x42: {  	_ =	shalt  }
0x43: {  	_ =	shalt  }
0x44: {  	_ =	shalt  }
0x45: {  	_ =	shalt  }
0x46: {  	_ =	shalt  }
0x47: {  	_ =	shalt  }
0x48: {  	_ =	shalt  }
0x49: {  	_ =	shalt  }
0x4a: {  	_ =	shalt  }
0x4b: {  	_ =	shalt  }
0x4c: {  	_ =	shalt  }
0x4d: {  	_ =	shalt  }
0x4e: {  	_ =	shalt  }
0x4f: {  	_ =	shalt  }
0x50: {  	_ =	shalt  }
0x51: {  	_ =	shalt  }
0x52: {  	_ =	shalt  }
0x53: {  	_ =	shalt  }
0x54: {  	_ =	shalt  }
0x55: {  	_ =	shalt  }
0x56: {  	_ =	shalt  }
0x57: {  	_ =	shalt  }
0x58: {  	_ =	shalt  }
0x59: {  	_ =	shalt  }
0x5a: {  	_ =	shalt  }
0x5b: {  	_ =	shalt  }
0x5c: {  	_ =	shalt  }
0x5d: {  	_ =	shalt  }
0x5e: {  	_ =	shalt  }
0x5f: {  	_ =	shalt  }
0x60: {  	_ =	shalt  }
0x61: {  	_ =	shalt  }
0x62: {  	_ =	shalt  }
0x63: {  	_ =	shalt  }
0x64: {  	_ =	shalt  }
0x65: {  	_ =	shalt  }
0x66: {  	_ =	shalt  }
0x67: {  	_ =	shalt  }
0x68: {  	_ =	shalt  }
0x69: {  	_ =	shalt  }
0x6a: {  	_ =	shalt  }
0x6b: {  	_ =	shalt  }
0x6c: {  	_ =	shalt  }
0x6d: {  	_ =	shalt  }
0x6e: {  	_ =	shalt  }
0x6f: {  	_ =	shalt  }
0x70: {  	_ =	shalt  }
0x71: {  	_ =	shalt  }
0x72: {  	_ =	shalt  }
0x73: {  	_ =	shalt  }
0x74: {  	_ =	shalt  }
0x75: {  	_ =	shalt  }
0x76: {  	_ =	shalt  }
0x77: {  	_ =	shalt  }
0x78: {  	_ =	shalt  }
0x79: {  	_ =	shalt  }
0x7a: {  	_ =	shalt  }
0x7b: {  	_ =	shalt  }
0x7c: {  	_ =	shalt  }
0x7d: {  	_ =	shalt  }
0x7e: {  	_ =	shalt  }
0x7f: {  	_ =	shalt  }
0x80: {  	_ =	shalt  }
0x81: {  	_ =	shalt  }
0x82: {  	_ =	shalt  }
0x83: {  	_ =	shalt  }
0x84: {  	_ =	shalt  }
0x85: {  	_ =	shalt  }
0x86: {  	_ =	shalt  }
0x87: {  	_ =	shalt  }
.Lfunc_end0:
.L_simem_size_0:
called_computation_lowered:
.L_overlay_start_0:
0x88: {  	s2 =	sld [smem:$0x3FD9]  }
0x89: {  	s3 =	sld [smem:$0x3FFE];
	_ =	sdelay $0x1  }
0x8a: {  	s1 =	srdreg.scid  }
0x8b: {  	s0 =	sand.u32 $0x1, s1  }
0x8c: {  	s17 =	sshll.u32 s0, $0xA;
	s2 =	sadd.s32 s3, s2  }
0x8d: {  	s2 =	sadd.s32 s2, s17  }
0x8e: {  	[smem:$0x3FC7] =	sst s2  }
0x8f: {  	_ = 	snop  }
0x90: {  	s2 =	sld [smem:$0x3FC9]  }
0x91: {  	s18 =	sld [smem:$0x3FD0];
	(tm) =	ssettm $0x1  }
0x92: {  	s4 =	sld [smem:$0x3FFB];
	_ =	sdelay $0x3  }
0x93: {  	_ =	strace s4  }
0x94: {  	s4 =	sld [smem:$0x3FFC];
	_ =	sdelay $0x3  }
0x95: {  	_ =	strace s4  }
0x96: {  	s4 =	sld [smem:$0x3FFD];
	_ =	sdelay $0x3  }
0x97: {  	_ =	strace s4  }
0x98: {  	_ =	strace $0x8FFFFFFF  }
0x99: {  	s19 =	sld [smem:$0x3FDB];
	_ =	sdelay $0x1  }
0x9a: {  	s5 =	simm.s32 $_scs_section_size  }
0x9b: {  	s6 =	simm.s32 $_size__tile_overlayer_lowered;
	s7 =	simm.s32 $_tile_overlayer_lowered  }
0x9c: {  	s22 =	simm.s32 $0x1BFF;
	s21 =	sshll.u32 s7, $0x1;
	s4 =	sadd.s32 s5, s19  }
0x9d: {  	s8 =	simm.s32 $0x0;
	s20 =	sshll.u32 s6, $0x1;
	s6 =	sadd.s32 s21, s4  }
0x9e: {  	[timem:s8], [sflag:s22] =	dma.local [hbm:s6], s20  }
0x9f: {  	_ =	swait.ge [sflag:s22], s20  }
0xa0: {  	s5 =	ssub.s32 $0x0, s20;
	[sflag:s22] =	ssyncset.done $0x0  }
0xa1: {  	[sflag:s22] =	ssyncadd.s32 s5;
	_ =	sdelay $0x1  }
0xa2: {  	s23 =	simm.s32 $0x1B8B  }
0xa3: {  	_ =	swait.ge [sflag:s23], $0x1  }
0xa4: {  	[sflag:s23] =	ssyncset.done $0x0  }
0xa5: {  	s25 =	simm.s32 $0x1B8E;
	s24 =	sld [smem:$0x3FFE];
	[sflag:s23] =	ssyncadd.s32 $0xFFFFFFFF  }
0xa6: {  	s26 =	simm.s32 $execute0_lowered;
	[smem:$0x3FD2] =	sst s25  }
0xa7: {  	s6 =	sshll.u32 s26, $0x1;
	_ =	strace $0x80000046;
	[dreg:$0x1] =	wrdreg $0xFFFFFFFF  }
0xa8: {  	s28 =	simm.s32 $_size_execute0_lowered;
	s4 =	sadd.s32 s4, s6;
	[dreg:$0x0] =	wrdreg $0x0  }
0xa9: {  	s6 =	sshll.u32 s28, $0x1;
	[dreg:$0x2] =	wrdreg s4  }
0xaa: {  	[dreg:$0x3] =	wrdreg s6  }
0xab: {  	[dreg:$0x4] =	wrdreg $0xC0  }
0xac: {  	_ =	task [dreg:s8], $0x5FFFF  }
0xad: {  	[dreg:$0x1] =	wrdreg $0xFFFFFFFF  }
0xae: {  	[dreg:$0x0] =	wrdreg $0x60  }
0xaf: {  	[dreg:$0x2] =	wrdreg s2  }
0xb0: {  	[dreg:$0x3] =	wrdreg s24  }
0xb1: {  	[dreg:$0x4] =	wrdreg s18  }
0xb2: {  	[dreg:$0x5] =	wrdreg $0x9  }
0xb3: {  	_ =	task.clear_ibuf [dreg:s8], $0x6FFFF;
	_ =	strace $0x90000046  }
0xb4: {  	s29 =	simm.s32 $0x9;
	_ =	strace $0x80000048  }
0xb5: {  	_ =	swait.ge [sflag:s29], $0x1  }
0xb6: {  	[sflag:s29] =	ssyncadd.s32 $0xFFFFFFFF  }
0xb7: {  	_ =	strace $0x90000048  }
0xb8: {  	_ =	sfence  }
0xb9: {  	s30 =	sld [smem:$0x0];
	_ =	sdelay $0x2  }
0xba: {  	s31 =	sshll.u32 s1, $0xD;
	s1 =	sshrl.u32 s1, $0x2  }
0xbb: {  	s3 =	sand.u32 $0x4000, s31;
	s1 =	sadd.s32 s1, s30  }
0xbc: {  	s0 =	sor.u32 s3, s0;
	s1 =	sshll.u32 s1, $0x11  }
0xbd: {  	s0 =	sor.u32 s1, s0  }
0xbe: {  	s0 =	sadd.s32 $0x8F2B, s0  }
0xbf: {  	[sflag:s0] =	ssyncadd.remote.s32 $0x1  }
0xc0: {  	_ =	sfence.sel $0xFFFF  }
0xc1: {  	[dreg:$0x0] =	wrdreg $0xFFFFFFFF;
	(pc) =	sbr.abs _section_cstart, $3  }
0xc2: {  	[dreg:$0x1] =	wrdreg $0xFFFFFFFF  }
0xc3: {  	_ =	task.clear_ibuf [dreg:s8], $0x2FFFF;
	_ =	strace $0x9FFFFFFF  }
0xc4: {  	(tm) =	ssettm $0x7FFFFFFF  }
0xc5: {  	_ =	shalt  }
tec
execute0_lowered:
.L_overlay_start_1:
0x0: {  	(tag) =	ssettag $0x1  }
0x1: {  	s1 =	rddreg [dreg:$0x0]  }
0x2: {  	s2 =	srdreg.scid;
	s20 =	stileid.u32  }
0x3: {  	s5 =	rddreg [dreg:$0x1];
	s4 =	sand.u32 $0x1, s2;
	s6 =	sshll.u32 s20, $0x1  }
0x4: {  	s3 =	rddreg [dreg:$0x2];
	s6 =	sor.u32 s4, s6  }
0x5: {  	s21 =	rddreg [dreg:$0x3];
	s7 =	smul.u32 $0xC80, s6  }
0x6: {  	p1 =	por $0x0, $0x0;
	s8 =	smul.u32 $0x6400, s6;
	s0 =	sor.u32 $0x20, s6  }
0x7: {  	s2 =	simm.s32 $0x0;
	s18 =	sor.u32 $0x60, s6;
	s10 =	smul.u32 $0x6400, s0  }
0x8: {  	s5 =	sadd.s32 $0x400, s5;
	s22 =	sor.u32 $0x80, s6;
	s12 =	smul.u32 $0x6400, s18  }
0x9: {  	p0 =	sgt.u32 s20, $0xC;
	s24 =	sor.u32 $0xA0, s6;
	s13 =	smul.u32 $0x6400, s22  }
0xa: {  	[smem:$0x7FF] =	sst s2;
	s4 =	ssub.s32 $0x2, s4;
	s14 =	smul.u32 $0x6400, s24  }
0xb: {  	_ =	strace $0x80000047;
	[dreg:$0x4] =	wrdreg s5;
	s5 =	smul.u32 $0xC80, s0  }
0xc: {  	s24 =	smul.u32 $0xC80, s24;
	s9 =	sadd.s32 s1, s7;
	s8 =	sshrl.u32 s8, $0x3  }
0xd: {  	s7 =	sadd.s32 s3, s7;
	[dreg:$0x5] =	wrdreg s9;
	s8 =	sadd.s32 s3, s8  }
0xe: {  	s9 =	sor.u32 $0x40, s6;
	s10 =	sshrl.u32 s10, $0x3;
	s12 =	sshrl.u32 s12, $0x3  }
0xf: {  	s13 =	sshrl.u32 s13, $0x3;
	s14 =	sshrl.u32 s14, $0x3;
	[dreg:$0xf] =	wrdreg s7  }
0x10: {  	s7 =	sadd.s32 s3, s24;
	s8 =	sadd.s32 $0xC3500, s8;
	s11 =	smul.u32 $0x6400, s9  }
0x11: {  	s17 =	sadd.s32 s3, s10;
	s23 =	sadd.s32 s3, s12;
	s25 =	sadd.s32 s3, s13  }
0x12: {  	s13 =	sor.u32 $0xC0, s6;
	s6 =	sor.u32 $0xE0, s6;
	s9 =	smul.u32 $0xC80, s9  }
0x13: {  	s14 =	sadd.s32 s3, s14;
	s12 =	simm.s32 $0x3;
	s15 =	smul.u32 $0x6400, s13  }
0x14: {  	[dreg:$0x6] =	wrdreg s8;
	s8 =	sadd.s32 $0xC3500, s17;
	s16 =	smul.u32 $0x6400, s6  }
0x15: {  	s26 =	sadd.s32 $0xC3500, s14;
	s11 =	sshrl.u32 s11, $0x3;
	[dreg:$0x7] =	wrdreg s8  }
0x16: {  	[dreg:$0xb] =	wrdreg s26;
	s26 =	smul.u32 $0xC80, s13;
	s13 =	simm.s32 $0x6400  }
0x17: {  	s19 =	sadd.s32 s3, s11;
	s30 =	sshrl.u32 s16, $0x3;
	s16 =	smul.u32 $0xC80, s18  }
0x18: {  	s28 =	sshrl.u32 s15, $0x3;
	s15 =	sadd.s32 s1, s9;
	s18 =	smul.u32 $0xC80, s22  }
0x19: {  	s22 =	sadd.s32 s3, s9;
	s11 =	simm.s32 $0x5;
	[dreg:$0x10] =	wrdreg s15  }
0x1a: {  	s8 =	sadd.s32 $0xC3500, s19;
	s29 =	sadd.s32 s3, s28;
	[dreg:$0x13] =	wrdreg s22  }
0x1b: {  	s14 =	sadd.s32 s3, s30;
	s28 =	sadd.s32 s1, s24;
	[dreg:$0x8] =	wrdreg s8  }
0x1c: {  	s19 =	sshrl.u32 s4, $0x1;
	s8 =	sadd.s32 $0xC3500, s23;
	[dreg:$0x16] =	wrdreg s28  }
0x1d: {  	s0 =	sadd.s32 $0xC3500, s14;
	s14 =	sadd.s32 s1, s5;
	[dreg:$0x9] =	wrdreg s8  }
0x1e: {  	s5 =	sadd.s32 s3, s5;
	s17 =	sadd.s32 s1, s16;
	[dreg:$0xd] =	wrdreg s0  }
0x1f: {  	s10 =	ssub.s32 s4, s19;
	s8 =	sadd.s32 $0xC3500, s25;
	[dreg:$0xe] =	wrdreg s14  }
0x20: {  	[dreg:$0xa] =	wrdreg s8;
	s8 =	sadd.s32 $0xC3500, s29;
	s29 =	smul.u32 $0xC80, s6  }
0x21: {  	s23 =	sadd.s32 s1, s18;
	s30 =	smax.u32 s10, $0x1;
	[dreg:$0xc] =	wrdreg s8  }
0x22: {  	s8 =	sadd.s32 s1, s26;
	s6 =	sadd.s32 s1, s29;
	s1 =	sadd.s32 $0xFFFFFFFF, s30  }
0x23: {  	s15 =	simm.s32 $0x2;
	[dreg:$0x11] =	wrdreg s5;
	p2 =	sne.s32 s1, $0x0  }
.Ltmp0:
0x24: {  	s9 =	sadd.s32 s3, s18;
	[dreg:$0x12] =	wrdreg s17;
	(pc) =	sbr.rel @!p2 .LBB2_5-.Ltmp0, $4  }
0x25: {  	s18 =	simm.s32 $0x12C00;
	s19 =	simm.s32 $0x8;
	[dreg:$0x14] =	wrdreg s23  }
0x26: {  	s25 =	sadd.s32 s3, s16;
	s5 =	sadd.s32 s3, s26;
	s16 =	simm.s32 $0x1  }
0x27: {  	s10 =	simm.s32 $0xC800;
	s14 =	simm.s32 $0x4;
	s17 =	simm.s32 $0x6  }
0x28: {  	[dreg:$0x15] =	wrdreg s25;
	s4 =	sadd.s32 s3, s29;
	s3 =	simm.s32 $0x7  }
0x29: {  	s20 =	rddreg [dreg:$0x5]  }
0x2a: {  	[tilespmem:s2], [sflag:$0x1] =	stream.linear.gather [hbm4b:s20+s2], $0x6400, $0x38;
	[tilespmem:$0x19000] =	vst v63  }
0x2b: {  	s21 =	rddreg [dreg:$0x4]  }
0x2c: {  	[tilespmem:s18], [sflag:$0x8] =	stream.linear.gather [hbm4b:s21+s2], $0x6400, $0x38;
	[tilespmem:$0x19000] =	vst v63  }
0x2d: {  	_ =	swait.ge [sflag:s19], $0x6400  }
0x2e: {  	[sflag:s19] =	ssyncset.done $0x0  }
0x2f: {  	s24 =	rddreg [dreg:$0x6];
	[sflag:s19] =	ssyncadd.s32 $0xFFFF9C00  }
0x30: {  	[hbm4b:s24+s2] =	stream.linear.scatter [tilespmem:s18], [sflag:$0x7], $0x6400, $0x38;
	[tilespmem:$0x19000] =	vst v63  }
0x31: {  	s25 =	rddreg [dreg:$0x7]  }
0x32: {  	[hbm4b:s25+s2] =	stream.linear.scatter [tilespmem:s18], [sflag:$0x7], $0x6400, $0x38;
	[tilespmem:$0x19000] =	vst v63  }
0x33: {  	s26 =	rddreg [dreg:$0x8]  }
0x34: {  	[hbm4b:s26+s2] =	stream.linear.scatter [tilespmem:s18], [sflag:$0x7], $0x6400, $0x38;
	[tilespmem:$0x19000] =	vst v63  }
0x35: {  	s0 =	rddreg [dreg:$0x9]  }
0x36: {  	[hbm4b:s0+s2] =	stream.linear.scatter [tilespmem:s18], [sflag:$0x7], $0x6400, $0x38;
	[tilespmem:$0x19000] =	vst v63  }
0x37: {  	s22 =	rddreg [dreg:$0xa]  }
0x38: {  	[hbm4b:s22+s2] =	stream.linear.scatter [tilespmem:s18], [sflag:$0x7], $0x6400, $0x38;
	[tilespmem:$0x19000] =	vst v63  }
0x39: {  	s23 =	rddreg [dreg:$0xb]  }
0x3a: {  	[hbm4b:s23+s2] =	stream.linear.scatter [tilespmem:s18], [sflag:$0x7], $0x6400, $0x38;
	[tilespmem:$0x19000] =	vst v63  }
0x3b: {  	s24 =	rddreg [dreg:$0xc]  }
0x3c: {  	[hbm4b:s24+s2] =	stream.linear.scatter [tilespmem:s18], [sflag:$0x7], $0x6400, $0x38;
	[tilespmem:$0x19000] =	vst v63  }
0x3d: {  	s20 =	simm.s32 @!p0 $0x0;
	s0 =	simm.s32 @!p0 $0x12C00;
	s22 =	rddreg [dreg:$0xd]  }
0x3e: {  	[hbm4b:s22+s20] =	stream.linear.scatter @!p0 [tilespmem:s0], [sflag:$0x7], $0x6400, $0x38;
	[tilespmem:$0x19000] =	vst v63  }
0x3f: {  	s23 =	rddreg [dreg:$0xe]  }
0x40: {  	[tilespmem:s13], [sflag:$0x2] =	stream.linear.gather [hbm4b:s23+s2], $0x6400, $0x38;
	[tilespmem:$0x19000] =	vst v63  }
0x41: {  	_ =	swait.ge [sflag:s16], $0x6400  }
0x42: {  	[sflag:s16] =	ssyncset.done $0x0  }
0x43: {  	s25 =	rddreg [dreg:$0xf];
	[sflag:s16] =	ssyncadd.s32 $0xFFFF9C00  }
0x44: {  	[hbm4b:s25+s2] =	stream.linear.scatter [tilespmem:s2], [sflag:$0x4], $0x6400, $0x38;
	[tilespmem:$0x19000] =	vst v63  }
0x45: {  	s26 =	rddreg [dreg:$0x10]  }
0x46: {  	[tilespmem:s10], [sflag:$0x3] =	stream.linear.gather [hbm4b:s26+s2], $0x6400, $0x38;
	[tilespmem:$0x19000] =	vst v63  }
0x47: {  	_ =	swait.ge [sflag:s15], $0x6400  }
0x48: {  	[sflag:s15] =	ssyncset.done $0x0  }
0x49: {  	s0 =	rddreg [dreg:$0x11];
	[sflag:s15] =	ssyncadd.s32 $0xFFFF9C00  }
0x4a: {  	[hbm4b:s0+s2] =	stream.linear.scatter [tilespmem:s13], [sflag:$0x5], $0x6400, $0x38;
	[tilespmem:$0x19000] =	vst v63  }
0x4b: {  	_ =	swait.ge [sflag:s14], $0x6400  }
0x4c: {  	[sflag:s14] =	ssyncset.done $0x0  }
0x4d: {  	s21 =	rddreg [dreg:$0x12];
	[sflag:s14] =	ssyncadd.s32 $0xFFFF9C00  }
0x4e: {  	[tilespmem:s2], [sflag:$0x1] =	stream.linear.gather [hbm4b:s21+s2], $0x6400, $0x38;
	[tilespmem:$0x19000] =	vst v63  }
0x4f: {  	_ =	swait.ge [sflag:s12], $0x6400  }
0x50: {  	[sflag:s12] =	ssyncset.done $0x0  }
0x51: {  	s23 =	rddreg [dreg:$0x13];
	[sflag:s12] =	ssyncadd.s32 $0xFFFF9C00  }
0x52: {  	[hbm4b:s23+s2] =	stream.linear.scatter [tilespmem:s10], [sflag:$0x6], $0x6400, $0x38;
	[tilespmem:$0x19000] =	vst v63  }
0x53: {  	_ =	swait.ge [sflag:s11], $0x6400  }
0x54: {  	[sflag:s11] =	ssyncset.done $0x0  }
0x55: {  	s24 =	rddreg [dreg:$0x14];
	[sflag:s11] =	ssyncadd.s32 $0xFFFF9C00  }
0x56: {  	[tilespmem:s13], [sflag:$0x2] =	stream.linear.gather [hbm4b:s24+s2], $0x6400, $0x38;
	[tilespmem:$0x19000] =	vst v63  }
0x57: {  	_ =	swait.ge [sflag:s16], $0x6400  }
0x58: {  	[sflag:s16] =	ssyncset.done $0x0  }
0x59: {  	s25 =	rddreg [dreg:$0x15];
	[sflag:s16] =	ssyncadd.s32 $0xFFFF9C00  }
0x5a: {  	[hbm4b:s25+s2] =	stream.linear.scatter [tilespmem:s2], [sflag:$0x4], $0x6400, $0x38;
	[tilespmem:$0x19000] =	vst v63  }
0x5b: {  	_ =	swait.ge [sflag:s17], $0x6400  }
0x5c: {  	[sflag:s17] =	ssyncset.done $0x0  }
0x5d: {  	s26 =	rddreg [dreg:$0x16];
	[sflag:s17] =	ssyncadd.s32 $0xFFFF9C00  }
0x5e: {  	[tilespmem:s10], [sflag:$0x3] =	stream.linear.gather [hbm4b:s26+s2], $0x6400, $0x38;
	[tilespmem:$0x19000] =	vst v63  }
0x5f: {  	_ =	swait.ge [sflag:s15], $0x6400  }
0x60: {  	[sflag:s15] =	ssyncset.done $0x0  }
0x61: {  	[sflag:s15] =	ssyncadd.s32 $0xFFFF9C00  }
0x62: {  	[hbm4b:s9+s2] =	stream.linear.scatter [tilespmem:s13], [sflag:$0x5], $0x6400, $0x38;
	[tilespmem:$0x19000] =	vst v63  }
0x63: {  	_ =	swait.ge [sflag:s14], $0x6400  }
0x64: {  	[sflag:s14] =	ssyncset.done $0x0  }
0x65: {  	[sflag:s14] =	ssyncadd.s32 $0xFFFF9C00  }
0x66: {  	[tilespmem:s2], [sflag:$0x1] =	stream.linear.gather [hbm4b:s8+s2], $0x6400, $0x38;
	[tilespmem:$0x19000] =	vst v63  }
0x67: {  	_ =	swait.ge [sflag:s12], $0x6400  }
0x68: {  	[sflag:s12] =	ssyncset.done $0x0  }
0x69: {  	[sflag:s12] =	ssyncadd.s32 $0xFFFF9C00  }
0x6a: {  	[hbm4b:s7+s2] =	stream.linear.scatter [tilespmem:s10], [sflag:$0x6], $0x6400, $0x38;
	[tilespmem:$0x19000] =	vst v63  }
0x6b: {  	_ =	swait.ge [sflag:s11], $0x6400  }
0x6c: {  	[sflag:s11] =	ssyncset.done $0x0  }
0x6d: {  	s22 =	simm.s32 @p0 $0x1;
	[sflag:s11] =	ssyncadd.s32 $0xFFFF9C00  }
0x6e: {  	_ =	swait.ge @p0 [sflag:s22], $0x6400  }
0x6f: {  	[sflag:s22] =	ssyncset.done @p0 $0x0  }
0x70: {  	s0 =	simm.s32 @p0 $0x0;
	[sflag:s22] =	ssyncadd.s32 @p0 $0xFFFF9C00  }
0x71: {  	[hbm4b:s5+s0] =	stream.linear.scatter @p0 [tilespmem:s0], [sflag:$0x4], $0x6400, $0x38;
	[tilespmem:$0x19000] =	vst v63  }
0x72: {  	s24 =	simm.s32 @!p0 $0x6400;
	s25 =	simm.s32 @!p0 $0x1  }
0x73: {  	[tilespmem:s24], [sflag:$0x2] =	stream.linear.gather @!p0 [hbm4b:s6+s20], $0x6400, $0x38;
	[tilespmem:$0x19000] =	vst v63  }
0x74: {  	_ =	swait.ge @!p0 [sflag:s25], $0x6400  }
0x75: {  	[sflag:s25] =	ssyncset.done @!p0 $0x0  }
0x76: {  	s26 =	simm.s32 @!p0 $0x6;
	[sflag:s25] =	ssyncadd.s32 @!p0 $0xFFFF9C00  }
0x77: {  	[hbm4b:s5+s20] =	stream.linear.scatter @!p0 [tilespmem:s20], [sflag:$0x4], $0x6400, $0x38;
	[tilespmem:$0x19000] =	vst v63  }
0x78: {  	_ =	swait.ge @!p0 [sflag:s26], $0x6400  }
0x79: {  	[sflag:s26] =	ssyncset.done @!p0 $0x0  }
0x7a: {  	s28 =	simm.s32 @!p0 $0x2;
	[sflag:s26] =	ssyncadd.s32 @!p0 $0xFFFF9C00  }
0x7b: {  	_ =	swait.ge @!p0 [sflag:s28], $0x6400  }
0x7c: {  	s29 =	simm.s32 @!p0 $0x4;
	[sflag:s28] =	ssyncset.done @!p0 $0x0  }
0x7d: {  	s29 =	simm.s32 @p0 $0x6;
	[sflag:s28] =	ssyncadd.s32 @!p0 $0xFFFF9C00  }
0x7e: {  	[hbm4b:s4+s20] =	stream.linear.scatter @!p0 [tilespmem:s24], [sflag:$0x5], $0x6400, $0x38;
	[tilespmem:$0x19000] =	vst v63  }
0x7f: {  	_ =	swait.ge [sflag:s29], $0x6400  }
0x80: {  	s30 =	simm.s32 @!p0 $0x5;
	[sflag:s29] =	ssyncset.done $0x0  }
0x81: {  	s30 =	simm.s32 @p0 $0x4;
	[sflag:s29] =	ssyncadd.s32 $0xFFFF9C00  }
0x82: {  	_ =	swait.ge [sflag:s30], $0x6400  }
0x83: {  	[sflag:s30] =	ssyncset.done $0x0  }
0x84: {  	[sflag:s30] =	ssyncadd.s32 $0xFFFF9C00  }
0x85: {  	_ =	swait.ge [sflag:s3], $0x6400  }
0x86: {  	[sflag:s3] =	ssyncset.done $0x0  }
0x87: {  	[sflag:s3] =	ssyncadd.s32 $0xFFFF9C00  }
0x88: {  	_ =	swait.ge [sflag:s3], $0x6400  }
0x89: {  	[sflag:s3] =	ssyncset.done $0x0  }
0x8a: {  	[sflag:s3] =	ssyncadd.s32 $0xFFFF9C00  }
0x8b: {  	_ =	swait.ge [sflag:s3], $0x6400  }
0x8c: {  	[sflag:s3] =	ssyncset.done $0x0  }
0x8d: {  	[sflag:s3] =	ssyncadd.s32 $0xFFFF9C00  }
0x8e: {  	_ =	swait.ge [sflag:s3], $0x6400  }
0x8f: {  	[sflag:s3] =	ssyncset.done $0x0  }
0x90: {  	[sflag:s3] =	ssyncadd.s32 $0xFFFF9C00  }
0x91: {  	_ =	swait.ge [sflag:s3], $0x6400  }
0x92: {  	[sflag:s3] =	ssyncset.done $0x0  }
0x93: {  	[sflag:s3] =	ssyncadd.s32 $0xFFFF9C00  }
0x94: {  	s1 =	sadd.s32 $0xFFFFFFFF, s1;
	_ =	swait.ge [sflag:s3], $0x6400  }
0x95: {  	p2 =	sne.s32 s1, $0x0;
	[sflag:s3] =	ssyncset.done $0x0  }
.Ltmp1:
0x96: {  	[sflag:s3] =	ssyncadd.s32 $0xFFFF9C00;
	(pc) =	sbr.rel @!p2 .LBB2_2-.Ltmp1, $4  }
0x97: {  	_ =	swait.ge [sflag:s3], $0x6400  }
0x98: {  	[sflag:s3] =	ssyncset.done $0x0  }
0x99: {  	s31 =	simm.s32 @!p0 $0x7;
	[sflag:s3] =	ssyncadd.s32 $0xFFFF9C00  }
0x9a: {  	p1 =	por $0x1, $0x1;
	_ =	swait.ge @!p0 [sflag:s31], $0x6400  }
.LBB2_3:
0x9b: {  	[sflag:s31] =	ssyncset.done @!p0 $0x0  }
0x9c: {  	s0 =	rddreg [dreg:$0x5];
	[sflag:s31] =	ssyncadd.s32 @!p0 $0xFFFF9C00  }
0x9d: {  	[tilespmem:s2], [sflag:$0x1] =	stream.linear.gather [hbm4b:s0+s2], $0x6400, $0x38;
	[tilespmem:$0x19000] =	vst v63  }
0x9e: {  	s21 =	rddreg [dreg:$0x4]  }
0x9f: {  	[tilespmem:s18], [sflag:$0x8] =	stream.linear.gather [hbm4b:s21+s2], $0x6400, $0x38;
	[tilespmem:$0x19000] =	vst v63  }
0xa0: {  	_ =	swait.ge [sflag:s19], $0x6400  }
0xa1: {  	[sflag:s19] =	ssyncset.done $0x0  }
0xa2: {  	s23 =	rddreg [dreg:$0x6];
	[sflag:s19] =	ssyncadd.s32 $0xFFFF9C00  }
0xa3: {  	[hbm4b:s23+s2] =	stream.linear.scatter [tilespmem:s18], [sflag:$0x7], $0x6400, $0x38;
	[tilespmem:$0x19000] =	vst v63  }
0xa4: {  	s21 =	rddreg [dreg:$0x7]  }
0xa5: {  	[hbm4b:s21+s2] =	stream.linear.scatter [tilespmem:s18], [sflag:$0x7], $0x6400, $0x38;
	[tilespmem:$0x19000] =	vst v63  }
0xa6: {  	s23 =	rddreg [dreg:$0x8]  }
0xa7: {  	[hbm4b:s23+s2] =	stream.linear.scatter [tilespmem:s18], [sflag:$0x7], $0x6400, $0x38;
	[tilespmem:$0x19000] =	vst v63  }
0xa8: {  	s21 =	rddreg [dreg:$0x9]  }
0xa9: {  	[hbm4b:s21+s2] =	stream.linear.scatter [tilespmem:s18], [sflag:$0x7], $0x6400, $0x38;
	[tilespmem:$0x19000] =	vst v63  }
0xaa: {  	s23 =	rddreg [dreg:$0xa]  }
0xab: {  	[hbm4b:s23+s2] =	stream.linear.scatter [tilespmem:s18], [sflag:$0x7], $0x6400, $0x38;
	[tilespmem:$0x19000] =	vst v63  }
0xac: {  	s21 =	rddreg [dreg:$0xb]  }
0xad: {  	[hbm4b:s21+s2] =	stream.linear.scatter [tilespmem:s18], [sflag:$0x7], $0x6400, $0x38;
	[tilespmem:$0x19000] =	vst v63  }
0xae: {  	s23 =	rddreg [dreg:$0xc]  }
0xaf: {  	[hbm4b:s23+s2] =	stream.linear.scatter [tilespmem:s18], [sflag:$0x7], $0x6400, $0x38;
	[tilespmem:$0x19000] =	vst v63  }
0xb0: {  	s21 =	rddreg [dreg:$0xd];
	s23 =	simm.s32 @!p0 $0x12C00  }
0xb1: {  	[hbm4b:s21+s20] =	stream.linear.scatter @!p0 [tilespmem:s23], [sflag:$0x7], $0x6400, $0x38;
	[tilespmem:$0x19000] =	vst v63  }
0xb2: {  	s0 =	rddreg [dreg:$0xe]  }
0xb3: {  	[tilespmem:s13], [sflag:$0x2] =	stream.linear.gather [hbm4b:s0+s2], $0x6400, $0x38;
	[tilespmem:$0x19000] =	vst v63  }
0xb4: {  	_ =	swait.ge [sflag:s16], $0x6400  }
0xb5: {  	[sflag:s16] =	ssyncset.done $0x0  }
0xb6: {  	s21 =	rddreg [dreg:$0xf];
	[sflag:s16] =	ssyncadd.s32 $0xFFFF9C00  }
0xb7: {  	[hbm4b:s21+s2] =	stream.linear.scatter [tilespmem:s2], [sflag:$0x4], $0x6400, $0x38;
	[tilespmem:$0x19000] =	vst v63  }
0xb8: {  	s23 =	rddreg [dreg:$0x10]  }
0xb9: {  	[tilespmem:s10], [sflag:$0x3] =	stream.linear.gather [hbm4b:s23+s2], $0x6400, $0x38;
	[tilespmem:$0x19000] =	vst v63  }
0xba: {  	_ =	swait.ge [sflag:s15], $0x6400  }
0xbb: {  	[sflag:s15] =	ssyncset.done $0x0  }
0xbc: {  	s21 =	rddreg [dreg:$0x11];
	[sflag:s15] =	ssyncadd.s32 $0xFFFF9C00  }
0xbd: {  	[hbm4b:s21+s2] =	stream.linear.scatter [tilespmem:s13], [sflag:$0x5], $0x6400, $0x38;
	[tilespmem:$0x19000] =	vst v63  }
0xbe: {  	_ =	swait.ge [sflag:s14], $0x6400  }
0xbf: {  	[sflag:s14] =	ssyncset.done $0x0  }
0xc0: {  	s23 =	rddreg [dreg:$0x12];
	[sflag:s14] =	ssyncadd.s32 $0xFFFF9C00  }
0xc1: {  	[tilespmem:s2], [sflag:$0x1] =	stream.linear.gather [hbm4b:s23+s2], $0x6400, $0x38;
	[tilespmem:$0x19000] =	vst v63  }
0xc2: {  	_ =	swait.ge [sflag:s12], $0x6400  }
0xc3: {  	[sflag:s12] =	ssyncset.done $0x0  }
0xc4: {  	s21 =	rddreg [dreg:$0x13];
	[sflag:s12] =	ssyncadd.s32 $0xFFFF9C00  }
0xc5: {  	[hbm4b:s21+s2] =	stream.linear.scatter [tilespmem:s10], [sflag:$0x6], $0x6400, $0x38;
	[tilespmem:$0x19000] =	vst v63  }
0xc6: {  	_ =	swait.ge [sflag:s11], $0x6400  }
0xc7: {  	[sflag:s11] =	ssyncset.done $0x0  }
0xc8: {  	s23 =	rddreg [dreg:$0x14];
	[sflag:s11] =	ssyncadd.s32 $0xFFFF9C00  }
0xc9: {  	[tilespmem:s13], [sflag:$0x2] =	stream.linear.gather [hbm4b:s23+s2], $0x6400, $0x38;
	[tilespmem:$0x19000] =	vst v63  }
0xca: {  	_ =	swait.ge [sflag:s16], $0x6400  }
0xcb: {  	[sflag:s16] =	ssyncset.done $0x0  }
0xcc: {  	s21 =	rddreg [dreg:$0x15];
	[sflag:s16] =	ssyncadd.s32 $0xFFFF9C00  }
0xcd: {  	[hbm4b:s21+s2] =	stream.linear.scatter [tilespmem:s2], [sflag:$0x4], $0x6400, $0x38;
	[tilespmem:$0x19000] =	vst v63  }
0xce: {  	_ =	swait.ge [sflag:s17], $0x6400  }
0xcf: {  	[sflag:s17] =	ssyncset.done $0x0  }
0xd0: {  	s23 =	rddreg [dreg:$0x16];
	[sflag:s17] =	ssyncadd.s32 $0xFFFF9C00  }
0xd1: {  	[tilespmem:s10], [sflag:$0x3] =	stream.linear.gather [hbm4b:s23+s2], $0x6400, $0x38;
	[tilespmem:$0x19000] =	vst v63  }
0xd2: {  	_ =	swait.ge [sflag:s15], $0x6400  }
0xd3: {  	[sflag:s15] =	ssyncset.done $0x0  }
0xd4: {  	[sflag:s15] =	ssyncadd.s32 $0xFFFF9C00  }
0xd5: {  	[hbm4b:s9+s2] =	stream.linear.scatter [tilespmem:s13], [sflag:$0x5], $0x6400, $0x38;
	[tilespmem:$0x19000] =	vst v63  }
0xd6: {  	_ =	swait.ge [sflag:s14], $0x6400  }
0xd7: {  	[sflag:s14] =	ssyncset.done $0x0  }
0xd8: {  	[sflag:s14] =	ssyncadd.s32 $0xFFFF9C00  }
0xd9: {  	[tilespmem:s2], [sflag:$0x1] =	stream.linear.gather [hbm4b:s8+s2], $0x6400, $0x38;
	[tilespmem:$0x19000] =	vst v63  }
0xda: {  	_ =	swait.ge [sflag:s12], $0x6400  }
0xdb: {  	[sflag:s12] =	ssyncset.done $0x0  }
0xdc: {  	[sflag:s12] =	ssyncadd.s32 $0xFFFF9C00  }
0xdd: {  	[hbm4b:s7+s2] =	stream.linear.scatter [tilespmem:s10], [sflag:$0x6], $0x6400, $0x38;
	[tilespmem:$0x19000] =	vst v63  }
0xde: {  	_ =	swait.ge [sflag:s11], $0x6400  }
0xdf: {  	[sflag:s11] =	ssyncset.done $0x0  }
0xe0: {  	[sflag:s11] =	ssyncadd.s32 $0xFFFF9C00  }
0xe1: {  	_ =	swait.ge @p0 [sflag:s22], $0x6400  }
0xe2: {  	[sflag:s22] =	ssyncset.done @p0 $0x0  }
0xe3: {  	s0 =	simm.s32 @p0 $0x0;
	[sflag:s22] =	ssyncadd.s32 @p0 $0xFFFF9C00  }
0xe4: {  	[hbm4b:s5+s0] =	stream.linear.scatter @p0 [tilespmem:s0], [sflag:$0x4], $0x6400, $0x38;
	[tilespmem:$0x19000] =	vst v63  }
0xe5: {  	_ = 	snop  }
0xe6: {  	[tilespmem:s24], [sflag:$0x2] =	stream.linear.gather @!p0 [hbm4b:s6+s20], $0x6400, $0x38;
	[tilespmem:$0x19000] =	vst v63  }
0xe7: {  	_ =	swait.ge @!p0 [sflag:s25], $0x6400  }
0xe8: {  	[sflag:s25] =	ssyncset.done @!p0 $0x0  }
0xe9: {  	[sflag:s25] =	ssyncadd.s32 @!p0 $0xFFFF9C00  }
0xea: {  	[hbm4b:s5+s20] =	stream.linear.scatter @!p0 [tilespmem:s20], [sflag:$0x4], $0x6400, $0x38;
	[tilespmem:$0x19000] =	vst v63  }
0xeb: {  	_ =	swait.ge @!p0 [sflag:s26], $0x6400  }
0xec: {  	[sflag:s26] =	ssyncset.done @!p0 $0x0  }
0xed: {  	[sflag:s26] =	ssyncadd.s32 @!p0 $0xFFFF9C00  }
0xee: {  	_ =	swait.ge @!p0 [sflag:s28], $0x6400  }
0xef: {  	[sflag:s28] =	ssyncset.done @!p0 $0x0  }
0xf0: {  	[sflag:s28] =	ssyncadd.s32 @!p0 $0xFFFF9C00  }
0xf1: {  	[hbm4b:s4+s20] =	stream.linear.scatter @!p0 [tilespmem:s24], [sflag:$0x5], $0x6400, $0x38;
	[tilespmem:$0x19000] =	vst v63  }
0xf2: {  	_ =	swait.ge [sflag:s29], $0x6400  }
0xf3: {  	[sflag:s29] =	ssyncset.done $0x0  }
0xf4: {  	[sflag:s29] =	ssyncadd.s32 $0xFFFF9C00  }
0xf5: {  	_ =	swait.ge [sflag:s30], $0x6400  }
0xf6: {  	[sflag:s30] =	ssyncset.done $0x0  }
0xf7: {  	[sflag:s30] =	ssyncadd.s32 $0xFFFF9C00  }
0xf8: {  	_ =	swait.ge [sflag:s3], $0x6400  }
0xf9: {  	[sflag:s3] =	ssyncset.done $0x0  }
0xfa: {  	[sflag:s3] =	ssyncadd.s32 $0xFFFF9C00  }
0xfb: {  	_ =	swait.ge [sflag:s3], $0x6400  }
0xfc: {  	[sflag:s3] =	ssyncset.done $0x0  }
0xfd: {  	[sflag:s3] =	ssyncadd.s32 $0xFFFF9C00  }
0xfe: {  	_ =	swait.ge [sflag:s3], $0x6400  }
0xff: {  	[sflag:s3] =	ssyncset.done $0x0  }
0x100: {  	[sflag:s3] =	ssyncadd.s32 $0xFFFF9C00  }
0x101: {  	_ =	swait.ge [sflag:s3], $0x6400  }
0x102: {  	[sflag:s3] =	ssyncset.done $0x0  }
0x103: {  	[sflag:s3] =	ssyncadd.s32 $0xFFFF9C00  }
0x104: {  	_ =	swait.ge [sflag:s3], $0x6400  }
0x105: {  	[sflag:s3] =	ssyncset.done $0x0  }
0x106: {  	[sflag:s3] =	ssyncadd.s32 $0xFFFF9C00  }
0x107: {  	s1 =	sadd.s32 $0xFFFFFFFF, s1;
	_ =	swait.ge [sflag:s3], $0x6400  }
0x108: {  	p2 =	sne.s32 s1, $0x0;
	[sflag:s3] =	ssyncset.done $0x0  }
.Ltmp2:
0x109: {  	[sflag:s3] =	ssyncadd.s32 $0xFFFF9C00;
	(pc) =	sbr.rel @p2 .LBB2_3-.Ltmp2, $4  }
0x10a: {  	_ =	swait.ge [sflag:s3], $0x6400  }
0x10b: {  	[sflag:s3] =	ssyncset.done $0x0  }
0x10c: {  	[sflag:s3] =	ssyncadd.s32 $0xFFFF9C00  }
0x10d: {  	_ =	swait.ge @!p0 [sflag:s31], $0x6400  }
0x10e: {  	s20 =	stileid.u32;
	s21 =	rddreg [dreg:$0x3]  }
.LBB2_5:
0x10f: {  	p1 =	por p0, !p1  }
0x110: {  	[sflag:s31] =	ssyncset.done @!p1 $0x0  }
0x111: {  	s0 =	rddreg [dreg:$0x5];
	[sflag:s31] =	ssyncadd.s32 @!p1 $0xFFFF9C00  }
0x112: {  	[tilespmem:s2], [sflag:$0x1] =	stream.linear.gather [hbm4b:s0+s2], $0x6400, $0x38;
	[tilespmem:$0x19000] =	vst v63  }
0x113: {  	s1 =	rddreg [dreg:$0x4]  }
0x114: {  	[tilespmem:s18], [sflag:$0x8] =	stream.linear.gather [hbm4b:s1+s2], $0x6400, $0x38;
	[tilespmem:$0x19000] =	vst v63  }
0x115: {  	_ =	swait.ge [sflag:s19], $0x6400  }
0x116: {  	[sflag:s19] =	ssyncset.done $0x0  }
0x117: {  	s24 =	rddreg [dreg:$0x6];
	[sflag:s19] =	ssyncadd.s32 $0xFFFF9C00  }
0x118: {  	[hbm4b:s24+s2] =	stream.linear.scatter [tilespmem:s18], [sflag:$0x7], $0x6400, $0x38;
	[tilespmem:$0x19000] =	vst v63  }
0x119: {  	s25 =	rddreg [dreg:$0x7]  }
0x11a: {  	[hbm4b:s25+s2] =	stream.linear.scatter [tilespmem:s18], [sflag:$0x7], $0x6400, $0x38;
	[tilespmem:$0x19000] =	vst v63  }
0x11b: {  	s26 =	rddreg [dreg:$0x8]  }
0x11c: {  	[hbm4b:s26+s2] =	stream.linear.scatter [tilespmem:s18], [sflag:$0x7], $0x6400, $0x38;
	[tilespmem:$0x19000] =	vst v63  }
0x11d: {  	s28 =	rddreg [dreg:$0x9]  }
0x11e: {  	[hbm4b:s28+s2] =	stream.linear.scatter [tilespmem:s18], [sflag:$0x7], $0x6400, $0x38;
	[tilespmem:$0x19000] =	vst v63  }
0x11f: {  	s29 =	rddreg [dreg:$0xa]  }
0x120: {  	[hbm4b:s29+s2] =	stream.linear.scatter [tilespmem:s18], [sflag:$0x7], $0x6400, $0x38;
	[tilespmem:$0x19000] =	vst v63  }
0x121: {  	s30 =	rddreg [dreg:$0xb]  }
0x122: {  	[hbm4b:s30+s2] =	stream.linear.scatter [tilespmem:s18], [sflag:$0x7], $0x6400, $0x38;
	[tilespmem:$0x19000] =	vst v63  }
0x123: {  	s31 =	rddreg [dreg:$0xc]  }
0x124: {  	[hbm4b:s31+s2] =	stream.linear.scatter [tilespmem:s18], [sflag:$0x7], $0x6400, $0x38;
	[tilespmem:$0x19000] =	vst v63  }
0x125: {  	s0 =	simm.s32 @!p0 $0x12C00;
	s1 =	simm.s32 @!p0 $0x0;
	s19 =	rddreg [dreg:$0xd]  }
0x126: {  	[hbm4b:s19+s1] =	stream.linear.scatter @!p0 [tilespmem:s0], [sflag:$0x7], $0x6400, $0x38;
	[tilespmem:$0x19000] =	vst v63  }
0x127: {  	s22 =	rddreg [dreg:$0xe]  }
0x128: {  	[tilespmem:s13], [sflag:$0x2] =	stream.linear.gather [hbm4b:s22+s2], $0x6400, $0x38;
	[tilespmem:$0x19000] =	vst v63  }
0x129: {  	_ =	swait.ge [sflag:s16], $0x6400  }
0x12a: {  	[sflag:s16] =	ssyncset.done $0x0  }
0x12b: {  	s23 =	rddreg [dreg:$0xf];
	[sflag:s16] =	ssyncadd.s32 $0xFFFF9C00  }
0x12c: {  	[hbm4b:s23+s2] =	stream.linear.scatter [tilespmem:s2], [sflag:$0x4], $0x6400, $0x38;
	[tilespmem:$0x19000] =	vst v63  }
0x12d: {  	s24 =	rddreg [dreg:$0x10]  }
0x12e: {  	[tilespmem:s10], [sflag:$0x3] =	stream.linear.gather [hbm4b:s24+s2], $0x6400, $0x38;
	[tilespmem:$0x19000] =	vst v63  }
0x12f: {  	_ =	swait.ge [sflag:s15], $0x6400  }
0x130: {  	[sflag:s15] =	ssyncset.done $0x0  }
0x131: {  	s25 =	rddreg [dreg:$0x11];
	[sflag:s15] =	ssyncadd.s32 $0xFFFF9C00  }
0x132: {  	[hbm4b:s25+s2] =	stream.linear.scatter [tilespmem:s13], [sflag:$0x5], $0x6400, $0x38;
	[tilespmem:$0x19000] =	vst v63  }
0x133: {  	_ =	swait.ge [sflag:s14], $0x6400  }
0x134: {  	[sflag:s14] =	ssyncset.done $0x0  }
0x135: {  	s26 =	rddreg [dreg:$0x12];
	[sflag:s14] =	ssyncadd.s32 $0xFFFF9C00  }
0x136: {  	[tilespmem:s2], [sflag:$0x1] =	stream.linear.gather [hbm4b:s26+s2], $0x6400, $0x38;
	[tilespmem:$0x19000] =	vst v63  }
0x137: {  	_ =	swait.ge [sflag:s12], $0x6400  }
0x138: {  	[sflag:s12] =	ssyncset.done $0x0  }
0x139: {  	s28 =	rddreg [dreg:$0x13];
	[sflag:s12] =	ssyncadd.s32 $0xFFFF9C00  }
0x13a: {  	[hbm4b:s28+s2] =	stream.linear.scatter [tilespmem:s10], [sflag:$0x6], $0x6400, $0x38;
	[tilespmem:$0x19000] =	vst v63  }
0x13b: {  	_ =	swait.ge [sflag:s11], $0x6400  }
0x13c: {  	[sflag:s11] =	ssyncset.done $0x0  }
0x13d: {  	s29 =	rddreg [dreg:$0x14];
	[sflag:s11] =	ssyncadd.s32 $0xFFFF9C00  }
0x13e: {  	[tilespmem:s13], [sflag:$0x2] =	stream.linear.gather [hbm4b:s29+s2], $0x6400, $0x38;
	[tilespmem:$0x19000] =	vst v63  }
0x13f: {  	_ =	swait.ge [sflag:s16], $0x6400  }
0x140: {  	[sflag:s16] =	ssyncset.done $0x0  }
0x141: {  	s30 =	rddreg [dreg:$0x15];
	[sflag:s16] =	ssyncadd.s32 $0xFFFF9C00  }
0x142: {  	[hbm4b:s30+s2] =	stream.linear.scatter [tilespmem:s2], [sflag:$0x4], $0x6400, $0x38;
	[tilespmem:$0x19000] =	vst v63  }
0x143: {  	_ =	swait.ge [sflag:s17], $0x6400  }
0x144: {  	[sflag:s17] =	ssyncset.done $0x0  }
0x145: {  	s31 =	rddreg [dreg:$0x16];
	[sflag:s17] =	ssyncadd.s32 $0xFFFF9C00  }
0x146: {  	[tilespmem:s10], [sflag:$0x3] =	stream.linear.gather [hbm4b:s31+s2], $0x6400, $0x38;
	[tilespmem:$0x19000] =	vst v63  }
0x147: {  	_ =	swait.ge [sflag:s15], $0x6400  }
0x148: {  	[sflag:s15] =	ssyncset.done $0x0  }
0x149: {  	[sflag:s15] =	ssyncadd.s32 $0xFFFF9C00  }
0x14a: {  	[hbm4b:s9+s2] =	stream.linear.scatter [tilespmem:s13], [sflag:$0x5], $0x6400, $0x38;
	[tilespmem:$0x19000] =	vst v63  }
0x14b: {  	_ =	swait.ge [sflag:s14], $0x6400  }
0x14c: {  	[sflag:s14] =	ssyncset.done $0x0  }
0x14d: {  	[sflag:s14] =	ssyncadd.s32 $0xFFFF9C00  }
0x14e: {  	[tilespmem:s2], [sflag:$0x1] =	stream.linear.gather [hbm4b:s8+s2], $0x6400, $0x38;
	[tilespmem:$0x19000] =	vst v63  }
0x14f: {  	_ =	swait.ge [sflag:s12], $0x6400  }
0x150: {  	[sflag:s12] =	ssyncset.done $0x0  }
0x151: {  	[sflag:s12] =	ssyncadd.s32 $0xFFFF9C00  }
0x152: {  	[hbm4b:s7+s2] =	stream.linear.scatter [tilespmem:s10], [sflag:$0x6], $0x6400, $0x38;
	[tilespmem:$0x19000] =	vst v63  }
0x153: {  	_ =	swait.ge [sflag:s11], $0x6400  }
0x154: {  	[sflag:s11] =	ssyncset.done $0x0  }
0x155: {  	s0 =	simm.s32 @p0 $0x1;
	[sflag:s11] =	ssyncadd.s32 $0xFFFF9C00  }
0x156: {  	_ =	swait.ge @p0 [sflag:s0], $0x6400  }
0x157: {  	[sflag:s0] =	ssyncset.done @p0 $0x0  }
0x158: {  	s2 =	simm.s32 @p0 $0x0;
	[sflag:s0] =	ssyncadd.s32 @p0 $0xFFFF9C00  }
0x159: {  	[hbm4b:s5+s2] =	stream.linear.scatter @p0 [tilespmem:s2], [sflag:$0x4], $0x6400, $0x38;
	[tilespmem:$0x19000] =	vst v63  }
0x15a: {  	s0 =	simm.s32 @!p0 $0x6400;
	s2 =	simm.s32 @!p0 $0x1  }
0x15b: {  	[tilespmem:s0], [sflag:$0x2] =	stream.linear.gather @!p0 [hbm4b:s6+s1], $0x6400, $0x38;
	[tilespmem:$0x19000] =	vst v63  }
0x15c: {  	_ =	swait.ge @!p0 [sflag:s2], $0x6400  }
0x15d: {  	[sflag:s2] =	ssyncset.done @!p0 $0x0  }
0x15e: {  	s6 =	simm.s32 @!p0 $0x6;
	[sflag:s2] =	ssyncadd.s32 @!p0 $0xFFFF9C00  }
0x15f: {  	[hbm4b:s5+s1] =	stream.linear.scatter @!p0 [tilespmem:s1], [sflag:$0x4], $0x6400, $0x38;
	[tilespmem:$0x19000] =	vst v63  }
0x160: {  	_ =	swait.ge @!p0 [sflag:s6], $0x6400  }
0x161: {  	[sflag:s6] =	ssyncset.done @!p0 $0x0  }
0x162: {  	s2 =	simm.s32 @!p0 $0x2;
	[sflag:s6] =	ssyncadd.s32 @!p0 $0xFFFF9C00  }
0x163: {  	_ =	swait.ge @!p0 [sflag:s2], $0x6400  }
0x164: {  	s5 =	simm.s32 @!p0 $0x4;
	[sflag:s2] =	ssyncset.done @!p0 $0x0  }
0x165: {  	s5 =	simm.s32 @p0 $0x6;
	[sflag:s2] =	ssyncadd.s32 @!p0 $0xFFFF9C00  }
0x166: {  	[hbm4b:s4+s1] =	stream.linear.scatter @!p0 [tilespmem:s0], [sflag:$0x5], $0x6400, $0x38;
	[tilespmem:$0x19000] =	vst v63  }
0x167: {  	_ =	swait.ge [sflag:s5], $0x6400  }
0x168: {  	s0 =	simm.s32 @!p0 $0x5;
	[sflag:s5] =	ssyncset.done $0x0  }
0x169: {  	s0 =	simm.s32 @p0 $0x4;
	[sflag:s5] =	ssyncadd.s32 $0xFFFF9C00  }
0x16a: {  	_ =	swait.ge [sflag:s0], $0x6400  }
0x16b: {  	[sflag:s0] =	ssyncset.done $0x0  }
0x16c: {  	[sflag:s0] =	ssyncadd.s32 $0xFFFF9C00  }
0x16d: {  	_ =	swait.ge [sflag:s3], $0x6400  }
0x16e: {  	[sflag:s3] =	ssyncset.done $0x0  }
0x16f: {  	[sflag:s3] =	ssyncadd.s32 $0xFFFF9C00  }
0x170: {  	_ =	swait.ge [sflag:s3], $0x6400  }
0x171: {  	[sflag:s3] =	ssyncset.done $0x0  }
0x172: {  	[sflag:s3] =	ssyncadd.s32 $0xFFFF9C00  }
0x173: {  	_ =	swait.ge [sflag:s3], $0x6400  }
0x174: {  	[sflag:s3] =	ssyncset.done $0x0  }
0x175: {  	[sflag:s3] =	ssyncadd.s32 $0xFFFF9C00  }
0x176: {  	_ =	swait.ge [sflag:s3], $0x6400  }
0x177: {  	[sflag:s3] =	ssyncset.done $0x0  }
0x178: {  	[sflag:s3] =	ssyncadd.s32 $0xFFFF9C00  }
0x179: {  	_ =	swait.ge [sflag:s3], $0x6400  }
0x17a: {  	[sflag:s3] =	ssyncset.done $0x0  }
0x17b: {  	[sflag:s3] =	ssyncadd.s32 $0xFFFF9C00  }
0x17c: {  	_ =	swait.ge [sflag:s3], $0x6400  }
0x17d: {  	[sflag:s3] =	ssyncset.done $0x0  }
0x17e: {  	[sflag:s3] =	ssyncadd.s32 $0xFFFF9C00  }
0x17f: {  	_ =	swait.ge [sflag:s3], $0x6400  }
0x180: {  	[sflag:s3] =	ssyncset.done $0x0  }
0x181: {  	s0 =	simm.s32 @!p0 $0x7;
	[sflag:s3] =	ssyncadd.s32 $0xFFFF9C00  }
0x182: {  	_ =	swait.ge @!p0 [sflag:s0], $0x6400  }
0x183: {  	[sflag:s0] =	ssyncset.done @!p0 $0x0  }
0x184: {  	[sflag:s0] =	ssyncadd.s32 @!p0 $0xFFFF9C00  }
0x185: {  	_ =	sfence.sel $0x180000  }
0x186: {  	[bflag:$0x0] =	sbarrier.arrive $0xFFFF  }
0x187: {  	p0 =	sne.s32 s20, $0x0;
	_ =	strace $0x90000047  }
0x188: {  	s0 =	sadd.s32 @!p0 $0x100000, s21;
	[bflag:$0x2] =	sbarrier.arrive $0xFFFF  }
0x189: {  	[sflag:s0] =	ssyncadd.tile.s32 @!p0 $0x1;
	_ =	shalt  }
.LBB2_2:
.Ltmp3:
0x18a: {  	(pc) =	sbr.rel .LBB2_5-.Ltmp3, $2  }
0x18b: {  	_ =	sdelay $0x2  }
0x18c: {  	s20 =	stileid.u32;
	s21 =	rddreg [dreg:$0x3]  }
.Lfunc_end2:
_tile_overlayer_lowered:
.L_overlay_start_2:
0x18d: {  	(tag) =	ssettag $0x2  }
0x18e: {  	s0 =	rddreg [dreg:$0x0];
	s2 =	stileid.u32  }
0x18f: {  	s1 =	rddreg [dreg:$0x1];
	p0 =	sne.s32 s2, $0x0  }
0x190: {  	s3 =	rddreg [dreg:$0x2];
	[bflag:$0x3] =	sbarrier.arrive $0xFFFF;
	s2 =	simm.s32 @!p0 $0x1C08  }
0x191: {  	[timem:s3], [sflag:s2] =	dma.local @!p0 [hbm:s0], s1  }
0x192: {  	s0 =	simm.s32 @!p0 $0x8  }
0x193: {  	_ =	swait.ge @!p0 [sflag:s0], s1  }
0x194: {  	s1 =	ssub.s32 @!p0 $0x0, s1;
	[sflag:s0] =	ssyncset.done @!p0 $0x0  }
0x195: {  	[sflag:s0] =	ssyncadd.s32 @!p0 s1  }
0x196: {  	[bflag:$0x3] =	sbarrier.arrive $0xFFFF  }
0x197: {  	_ =	shalt  }

</sc_bundles>
